<compile_context>
chip_gen: v7x
topology: tpu7x:2x2x1
jax: 0.10.2.dev20260603
libtpu: 0.0.44.dev20260713+nightly
codegen_flags: <defaults>
</compile_context>

<pallas_src>
import jax
import jax.numpy as jnp
from jax import lax
from jax.experimental import pallas as pl
from jax.experimental.pallas import tpu as pltpu
from jax.experimental.pallas import tpu_sc as plsc

N_POS = 8192
H = 1024
B = 4
S = 8192
B_TOTAL = B * S
NC = 2
NS = 16
NW = NC * NS
B_PER_W = B_TOTAL // NW
CHUNK = 16
N_CHUNKS = B_PER_W // CHUNK
NBUF = 4
N_GROUPS = N_CHUNKS // NBUF
LANES = 16
VPR = H // LANES
VPC = CHUNK * VPR


def _gather_body(x_hbm, table_hbm, scal_hbm, out_hbm, idx_v, scal_v,
                 *bufs_and_sems):
    bufs = bufs_and_sems[:NBUF]
    gsems = bufs_and_sems[NBUF:2 * NBUF]
    osems = bufs_and_sems[2 * NBUF:3 * NBUF]
    wid = lax.axis_index("s") * NC + lax.axis_index("c")
    base = wid * B_PER_W
    pltpu.sync_copy(x_hbm.at[wid], idx_v)
    pltpu.sync_copy(scal_hbm, scal_v.at[pl.ds(0, 1)])
    s = scal_v[...][0]

    def gather_start(ci, k):
        pltpu.async_copy(table_hbm.at[idx_v.at[ci]], bufs[k], gsems[k])

    def gather_wait(ci, k):
        pltpu.make_async_copy(table_hbm.at[idx_v.at[ci]], bufs[k], gsems[k]).wait()

    def out_start(ci, k):
        pltpu.async_copy(bufs[k], out_hbm.at[pl.ds(base + ci * CHUNK, CHUNK)], osems[k])

    def out_wait(ci, k):
        pltpu.make_async_copy(
            bufs[k], out_hbm.at[pl.ds(base + ci * CHUNK, CHUNK)], osems[k]
        ).wait()

    def scale_buf(k):
        buf = bufs[k]

        @plsc.parallel_loop(0, VPC, 1, unroll=8)
        def _(i):
            r = jnp.right_shift(i, 6)
            off = jnp.bitwise_and(i, VPR - 1) * LANES
            sl = pl.ds(off, LANES)
            buf[r, sl] = buf[r, sl] * s

    for k in range(NBUF - 1):
        gather_start(k, k)

    def step(g, carry):
        for k in range(NBUF):
            ci = g * NBUF + k
            b = k
            br = (k + NBUF - 1) % NBUF
            gather_wait(ci, b)
            if k == 0:
                @pl.when(g > 0)
                def _():
                    out_wait(ci - 1, br)
            else:
                out_wait(ci - 1, br)
            if k == 0:
                gather_start(ci + NBUF - 1, br)
            else:
                @pl.when(g < N_GROUPS - 1)
                def _():
                    gather_start(ci + NBUF - 1, br)
            scale_buf(b)
            out_start(ci, b)
        return carry

    lax.fori_loop(0, N_GROUPS, step, 0)
    out_wait(N_CHUNKS - 1, (N_CHUNKS - 1) % NBUF)


@jax.jit
def _lookup(x3d, table3d, scaling):
    mesh = plsc.VectorSubcoreMesh(core_axis_name="c", subcore_axis_name="s")
    f = pl.kernel(
        _gather_body,
        out_type=jax.ShapeDtypeStruct((B_TOTAL, H), jnp.float32),
        mesh=mesh,
        scratch_types=(
            [pltpu.VMEM((N_CHUNKS, CHUNK), jnp.int32),
             pltpu.VMEM((LANES,), jnp.float32)]
            + [pltpu.VMEM((CHUNK, H), jnp.float32) for _ in range(NBUF)]
            + [pltpu.SemaphoreType.DMA for _ in range(2 * NBUF)]
        ),
    )
    return f(x3d, table3d, scaling)


def kernel(x, table, scaling):
    x3d = x.reshape(NW, N_CHUNKS, CHUNK)
    out = _lookup(x3d, table, scaling)
    return out.reshape(B, S, H)

# --- scband reference (transcript-rebuilt; emitter-appended) ---
"""Pipeline reference for scband-sinusoidal-embeddings-90898687852770 (READ-ONLY COPY).

The authoritative reference and input builder live on the scoring server;
editing this copy changes nothing except your own understanding.
"""

import jax, jax.numpy as jnp
import numpy as np

N_POSITION = 8192
HIDDEN_WIDTH = 1024


def _position_encoding_init(n_position, hidden_width):
    pos = np.arange(n_position, dtype=np.float64)[:, None]
    i = np.arange(hidden_width, dtype=np.float64)[None, :]
    enc = pos / np.power(10000.0, 2.0 * i / hidden_width)
    enc[0, :] = 0.0
    enc[1:, 0::2] = np.sin(enc[1:, 0::2])
    enc[1:, 1::2] = np.cos(enc[1:, 1::2])
    return jnp.asarray(enc, dtype=jnp.float32)


def setup_inputs(seed: int = 0) -> dict:
    key = jax.random.key(seed)
    k1, = jax.random.split(key, 1)
    x = jax.random.randint(k1, (4, 8192), 0, N_POSITION, dtype=jnp.int64) if jax.config.jax_enable_x64 else jax.random.randint(k1, (4, 8192), 0, N_POSITION, dtype=jnp.int32)
    table = _position_encoding_init(N_POSITION, HIDDEN_WIDTH)
    scaling = jnp.array([1.0 / (HIDDEN_WIDTH ** 0.5)], dtype=jnp.float32)
    return {"x": x, "table": table, "scaling": scaling}


def reference(x, table, scaling):
    # embedding lookup: table[x] -> (B, S, H), then learnable scalar scaling
    emb = jnp.take(table, x, axis=0)
    return emb * scaling

if __name__ == "__main__":
    import jax
    _d = setup_inputs()
    print(jax.jit(kernel)(*tuple(_d.values())))

</pallas_src>

<mosaic_0001>
#map = affine_map<(d0, d1) -> (0, 0, 0)>
#map1 = affine_map<(d0, d1) -> (0, 0)>
#map2 = affine_map<(d0, d1) -> (0)>
module attributes {stable_mosaic.version = 14 : i64} {
  func.func @_gather_body(%arg0: i32, %arg1: i32, %arg2: memref<32x64x16xi32, #tpu.memory_space<hbm>>, %arg3: memref<8192x1024xf32, #tpu.memory_space<hbm>>, %arg4: memref<1xf32, #tpu.memory_space<hbm>>, %arg5: memref<32768x1024xf32, #tpu.memory_space<hbm>>, %arg6: memref<64x16xi32, #tpu.memory_space<vmem>>, %arg7: memref<16xf32, #tpu.memory_space<vmem>>, %arg8: memref<16x1024xf32, #tpu.memory_space<vmem>>, %arg9: memref<16x1024xf32, #tpu.memory_space<vmem>>, %arg10: memref<16x1024xf32, #tpu.memory_space<vmem>>, %arg11: memref<16x1024xf32, #tpu.memory_space<vmem>>, %arg12: memref<!tpu.dma_semaphore, #tpu.memory_space<semaphore_mem>>, %arg13: memref<!tpu.dma_semaphore, #tpu.memory_space<semaphore_mem>>, %arg14: memref<!tpu.dma_semaphore, #tpu.memory_space<semaphore_mem>>, %arg15: memref<!tpu.dma_semaphore, #tpu.memory_space<semaphore_mem>>, %arg16: memref<!tpu.dma_semaphore, #tpu.memory_space<semaphore_mem>>, %arg17: memref<!tpu.dma_semaphore, #tpu.memory_space<semaphore_mem>>, %arg18: memref<!tpu.dma_semaphore, #tpu.memory_space<semaphore_mem>>, %arg19: memref<!tpu.dma_semaphore, #tpu.memory_space<semaphore_mem>>) attributes {dimension_semantics = [#tpu.dimension_semantics<core_parallel>, #tpu.dimension_semantics<subcore_parallel>], iteration_bounds = array<i64: 2, 16>, scalar_prefetch = 0 : i64, scratch_operands = 14 : i64, tpu.core_type = #tpu.core_type<sc_vector_subcore>, window_params = [{transform_indices = #map}, {transform_indices = #map1}, {transform_indices = #map2}, {transform_indices = #map1}]} {
    %mul3A = arith.constant 2 : i32
    %mul3A_0 = arith.muli %arg1, %mul3A : i32
    %add3A = arith.addi %mul3A_0, %arg0 : i32
    %mul3A_1 = arith.constant 1024 : i32
    %mul3A_2 = arith.muli %add3A, %mul3A_1 : i32
    "tpu.region"() ({
      %run_scoped3A = tpu.sem_alloc : memref<!tpu.dma_semaphore, #tpu.memory_space<semaphore_mem>>
      %dma_start3A_35 = arith.constant 0 : i32
      %dma_start3A_36 = arith.constant 0 : i32
      %dma_start3A_37 = tpu.memref_slice %arg2[%add3A, %dma_start3A_35, %dma_start3A_36] : memref<32x64x16xi32, #tpu.memory_space<hbm>> -> memref<1x64x16xi32, #tpu.memory_space<hbm>>
      %dma_start3A_38 = tpu.memref_squeeze %dma_start3A_37 : memref<1x64x16xi32, #tpu.memory_space<hbm>> -> memref<64x16xi32, #tpu.memory_space<hbm>>
      %dma_start3A_39 = arith.constant 0 : i32
      %dma_start3A_40 = arith.constant 0 : i32
      %dma_start3A_41 = tpu.memref_slice %arg2[%add3A, %dma_start3A_39, %dma_start3A_40] : memref<32x64x16xi32, #tpu.memory_space<hbm>> -> memref<1x64x16xi32, #tpu.memory_space<hbm>>
      %dma_start3A_42 = tpu.memref_squeeze %dma_start3A_41 : memref<1x64x16xi32, #tpu.memory_space<hbm>> -> memref<64x16xi32, #tpu.memory_space<hbm>>
      tpu.enqueue_dma source(%dma_start3A_42 : memref<64x16xi32, #tpu.memory_space<hbm>>) target(%arg6 : memref<64x16xi32, #tpu.memory_space<vmem>>) target_semaphore(%run_scoped3A : memref<!tpu.dma_semaphore, #tpu.memory_space<semaphore_mem>>)
      %dma_wait3A_43 = arith.constant 0 : i32
      %dma_wait3A_44 = arith.constant 0 : i32
      %dma_wait3A_45 = tpu.memref_slice %arg2[%add3A, %dma_wait3A_43, %dma_wait3A_44] : memref<32x64x16xi32, #tpu.memory_space<hbm>> -> memref<1x64x16xi32, #tpu.memory_space<hbm>>
      %dma_wait3A_46 = tpu.memref_squeeze %dma_wait3A_45 : memref<1x64x16xi32, #tpu.memory_space<hbm>> -> memref<64x16xi32, #tpu.memory_space<hbm>>
      %dma_wait3A_47 = arith.constant 0 : i32
      %dma_wait3A_48 = arith.constant 0 : i32
      %dma_wait3A_49 = tpu.memref_slice %arg2[%add3A, %dma_wait3A_47, %dma_wait3A_48] : memref<32x64x16xi32, #tpu.memory_space<hbm>> -> memref<1x64x16xi32, #tpu.memory_space<hbm>>
      %dma_wait3A_50 = tpu.memref_squeeze %dma_wait3A_49 : memref<1x64x16xi32, #tpu.memory_space<hbm>> -> memref<64x16xi32, #tpu.memory_space<hbm>>
      tpu.wait_dma2 semaphore(%run_scoped3A : memref<!tpu.dma_semaphore, #tpu.memory_space<semaphore_mem>>) src(%dma_wait3A_50 : memref<64x16xi32, #tpu.memory_space<hbm>>) dst(%arg6 : memref<64x16xi32, #tpu.memory_space<vmem>>)
      tpu.yield
    }) : () -> ()
    "tpu.region"() ({
      %run_scoped3A = tpu.sem_alloc : memref<!tpu.dma_semaphore, #tpu.memory_space<semaphore_mem>>
      %dma_start3A_35 = arith.constant 0 : i32
      %dma_start3A_36 = tpu.memref_slice %arg7[%dma_start3A_35] : memref<16xf32, #tpu.memory_space<vmem>> -> memref<1xf32, #tpu.memory_space<vmem>>
      %dma_start3A_37 = arith.constant 0 : i32
      %dma_start3A_38 = tpu.memref_slice %arg7[%dma_start3A_37] : memref<16xf32, #tpu.memory_space<vmem>> -> memref<1xf32, #tpu.memory_space<vmem>>
      tpu.enqueue_dma source(%arg4 : memref<1xf32, #tpu.memory_space<hbm>>) target(%dma_start3A_38 : memref<1xf32, #tpu.memory_space<vmem>>) target_semaphore(%run_scoped3A : memref<!tpu.dma_semaphore, #tpu.memory_space<semaphore_mem>>)
      %dma_wait3A_39 = arith.constant 0 : i32
      %dma_wait3A_40 = tpu.memref_slice %arg7[%dma_wait3A_39] : memref<16xf32, #tpu.memory_space<vmem>> -> memref<1xf32, #tpu.memory_space<vmem>>
      %dma_wait3A_41 = arith.constant 0 : i32
      %dma_wait3A_42 = tpu.memref_slice %arg7[%dma_wait3A_41] : memref<16xf32, #tpu.memory_space<vmem>> -> memref<1xf32, #tpu.memory_space<vmem>>
      tpu.wait_dma2 semaphore(%run_scoped3A : memref<!tpu.dma_semaphore, #tpu.memory_space<semaphore_mem>>) src(%arg4 : memref<1xf32, #tpu.memory_space<hbm>>) dst(%dma_wait3A_42 : memref<1xf32, #tpu.memory_space<vmem>>)
      tpu.yield
    }) : () -> ()
    %get3A = arith.constant 0 : index
    %get3A_3 = tpu.vector_load %arg7[%get3A] {strides = array<i32>} : memref<16xf32, #tpu.memory_space<vmem>>, vector<16xf32>,
    %get3A_4 = vector.shape_cast %get3A_3 : vector<16xf32> to vector<16xf32>
    %slice3A = vector.extract_strided_slice %get3A_4 {offsets = [0], sizes = [1], strides = [1]} : vector<16xf32> to vector<1xf32>
    %squeeze3A = vector.extract %slice3A[0] : f32 from vector<1xf32>
    %dma_start3A = arith.constant 0 : i32
    %dma_start3A_5 = arith.constant 0 : i32
    %dma_start3A_6 = tpu.memref_slice %arg6[%dma_start3A, %dma_start3A_5] : memref<64x16xi32, #tpu.memory_space<vmem>> -> memref<1x16xi32, #tpu.memory_space<vmem>>
    %dma_start3A_7 = tpu.memref_squeeze %dma_start3A_6 : memref<1x16xi32, #tpu.memory_space<vmem>> -> memref<16xi32, #tpu.memory_space<vmem>>
    %dma_start3A_8 = arith.constant 0 : i32
    %dma_start3A_9 = arith.constant 0 : i32
    %dma_start3A_10 = tpu.memref_slice %arg3[%dma_start3A_8, %dma_start3A_9] : memref<8192x1024xf32, #tpu.memory_space<hbm>> -> memref<8192x1024xf32, #tpu.memory_space<hbm>>
    tpu.enqueue_indirect_dma source(%dma_start3A_10 : memref<8192x1024xf32, #tpu.memory_space<hbm>>) target(%arg8 : memref<16x1024xf32, #tpu.memory_space<vmem>>) offsets(%dma_start3A_7 : memref<16xi32, #tpu.memory_space<vmem>>) semaphore(%arg12 : memref<!tpu.dma_semaphore, #tpu.memory_space<semaphore_mem>>)
    %dma_start3A_11 = arith.constant 1 : i32
    %dma_start3A_12 = arith.constant 0 : i32
    %dma_start3A_13 = tpu.memref_slice %arg6[%dma_start3A_11, %dma_start3A_12] : memref<64x16xi32, #tpu.memory_space<vmem>> -> memref<1x16xi32, #tpu.memory_space<vmem>>
    %dma_start3A_14 = tpu.memref_squeeze %dma_start3A_13 : memref<1x16xi32, #tpu.memory_space<vmem>> -> memref<16xi32, #tpu.memory_space<vmem>>
    %dma_start3A_15 = arith.constant 0 : i32
    %dma_start3A_16 = arith.constant 0 : i32
    %dma_start3A_17 = tpu.memref_slice %arg3[%dma_start3A_15, %dma_start3A_16] : memref<8192x1024xf32, #tpu.memory_space<hbm>> -> memref<8192x1024xf32, #tpu.memory_space<hbm>>
    tpu.enqueue_indirect_dma source(%dma_start3A_17 : memref<8192x1024xf32, #tpu.memory_space<hbm>>) target(%arg9 : memref<16x1024xf32, #tpu.memory_space<vmem>>) offsets(%dma_start3A_14 : memref<16xi32, #tpu.memory_space<vmem>>) semaphore(%arg13 : memref<!tpu.dma_semaphore, #tpu.memory_space<semaphore_mem>>)
    %dma_start3A_18 = arith.constant 2 : i32
    %dma_start3A_19 = arith.constant 0 : i32
    %dma_start3A_20 = tpu.memref_slice %arg6[%dma_start3A_18, %dma_start3A_19] : memref<64x16xi32, #tpu.memory_space<vmem>> -> memref<1x16xi32, #tpu.memory_space<vmem>>
    %dma_start3A_21 = tpu.memref_squeeze %dma_start3A_20 : memref<1x16xi32, #tpu.memory_space<vmem>> -> memref<16xi32, #tpu.memory_space<vmem>>
    %dma_start3A_22 = arith.constant 0 : i32
    %dma_start3A_23 = arith.constant 0 : i32
    %dma_start3A_24 = tpu.memref_slice %arg3[%dma_start3A_22, %dma_start3A_23] : memref<8192x1024xf32, #tpu.memory_space<hbm>> -> memref<8192x1024xf32, #tpu.memory_space<hbm>>
    tpu.enqueue_indirect_dma source(%dma_start3A_24 : memref<8192x1024xf32, #tpu.memory_space<hbm>>) target(%arg10 : memref<16x1024xf32, #tpu.memory_space<vmem>>) offsets(%dma_start3A_21 : memref<16xi32, #tpu.memory_space<vmem>>) semaphore(%arg14 : memref<!tpu.dma_semaphore, #tpu.memory_space<semaphore_mem>>)
    %scan3A = arith.constant 0 : i32
    %scan3A_25 = arith.constant 0 : i32
    %scan3A_26 = arith.constant 16 : i32
    %scan3A_27 = arith.addi %scan3A_25, %scan3A_26 : i32
    %scan3A_28 = arith.constant 1 : i32
    scf.for %scan3A_35 = %scan3A_25 to %scan3A_27 step %scan3A_28  : i32 {
      %mul3A_36 = arith.constant 4 : i32
      %mul3A_37 = arith.muli %scan3A_35, %mul3A_36 : i32
      %add3A_38 = arith.constant 0 : i32
      %add3A_39 = arith.addi %mul3A_37, %add3A_38 : i32
      %dma_wait3A_40 = arith.constant 0 : i32
      %dma_wait3A_41 = tpu.memref_slice %arg6[%add3A_39, %dma_wait3A_40] : memref<64x16xi32, #tpu.memory_space<vmem>> -> memref<1x16xi32, #tpu.memory_space<vmem>>
      %dma_wait3A_42 = tpu.memref_squeeze %dma_wait3A_41 : memref<1x16xi32, #tpu.memory_space<vmem>> -> memref<16xi32, #tpu.memory_space<vmem>>
      %dma_wait3A_43 = arith.constant 0 : i32
      %dma_wait3A_44 = arith.constant 0 : i32
      %dma_wait3A_45 = tpu.memref_slice %arg3[%dma_wait3A_43, %dma_wait3A_44] : memref<8192x1024xf32, #tpu.memory_space<hbm>> -> memref<8192x1024xf32, #tpu.memory_space<hbm>>
      tpu.wait_indirect_dma semaphore(%arg12 : memref<!tpu.dma_semaphore, #tpu.memory_space<semaphore_mem>>) src(%dma_wait3A_45 : memref<8192x1024xf32, #tpu.memory_space<hbm>>) dst(%arg8 : memref<16x1024xf32, #tpu.memory_space<vmem>>)
      %gt3A = arith.constant 0 : i32
      %gt3A_46 = arith.cmpi sgt, %scan3A_35, %gt3A : i32
      %convert_element_type3A = arith.extui %gt3A_46 : i1 to i32
      %cond3A = arith.constant 0 : i32
      %cond3A_47 = arith.cmpi ne, %convert_element_type3A, %cond3A : i32
      scf.if %cond3A_47 {
        %sub3A_167 = arith.constant 1 : i32
        %sub3A_168 = arith.subi %add3A_39, %sub3A_167 : i32
        %mul3A_169 = arith.constant 16 : i32
        %mul3A_170 = arith.muli %sub3A_168, %mul3A_169 : i32
        %add3A_171 = arith.addi %mul3A_2, %mul3A_170 : i32
        %dma_wait3A_172 = arith.constant 0 : i32
        %dma_wait3A_173 = tpu.memref_slice %arg5[%add3A_171, %dma_wait3A_172] : memref<32768x1024xf32, #tpu.memory_space<hbm>> -> memref<16x1024xf32, #tpu.memory_space<hbm>>
        %dma_wait3A_174 = arith.constant 0 : i32
        %dma_wait3A_175 = tpu.memref_slice %arg5[%add3A_171, %dma_wait3A_174] : memref<32768x1024xf32, #tpu.memory_space<hbm>> -> memref<16x1024xf32, #tpu.memory_space<hbm>>
        tpu.wait_dma2 semaphore(%arg19 : memref<!tpu.dma_semaphore, #tpu.memory_space<semaphore_mem>>) src(%arg11 : memref<16x1024xf32, #tpu.memory_space<vmem>>) dst(%dma_wait3A_175 : memref<16x1024xf32, #tpu.memory_space<hbm>>)
      } else {
      }
      %add3A_48 = arith.constant 4 : i32
      %add3A_49 = arith.addi %add3A_39, %add3A_48 : i32
      %sub3A = arith.constant 1 : i32
      %sub3A_50 = arith.subi %add3A_49, %sub3A : i32
      %dma_start3A_51 = arith.constant 0 : i32
      %dma_start3A_52 = tpu.memref_slice %arg6[%sub3A_50, %dma_start3A_51] : memref<64x16xi32, #tpu.memory_space<vmem>> -> memref<1x16xi32, #tpu.memory_space<vmem>>
      %dma_start3A_53 = tpu.memref_squeeze %dma_start3A_52 : memref<1x16xi32, #tpu.memory_space<vmem>> -> memref<16xi32, #tpu.memory_space<vmem>>
      %dma_start3A_54 = arith.constant 0 : i32
      %dma_start3A_55 = arith.constant 0 : i32
      %dma_start3A_56 = tpu.memref_slice %arg3[%dma_start3A_54, %dma_start3A_55] : memref<8192x1024xf32, #tpu.memory_space<hbm>> -> memref<8192x1024xf32, #tpu.memory_space<hbm>>
      tpu.enqueue_indirect_dma source(%dma_start3A_56 : memref<8192x1024xf32, #tpu.memory_space<hbm>>) target(%arg11 : memref<16x1024xf32, #tpu.memory_space<vmem>>) offsets(%dma_start3A_53 : memref<16xi32, #tpu.memory_space<vmem>>) semaphore(%arg15 : memref<!tpu.dma_semaphore, #tpu.memory_space<semaphore_mem>>)
      %parallel_loop3A = arith.constant 0 : i32
      %parallel_loop3A_57 = arith.constant 1024 : i32
      %parallel_loop3A_58 = arith.constant 1 : i32
      scf.for %parallel_loop3A_167 = %parallel_loop3A to %parallel_loop3A_57 step %parallel_loop3A_58  : i32 {
        %parallel_loop3A_168 = arith.constant 6 : i32
        %parallel_loop3A_169 = arith.shrsi %parallel_loop3A_167, %parallel_loop3A_168 : i32
        %parallel_loop3A_170 = arith.constant 63 : i32
        %parallel_loop3A_171 = arith.andi %parallel_loop3A_167, %parallel_loop3A_170 : i32
        %parallel_loop3A_172 = arith.constant 16 : i32
        %parallel_loop3A_173 = arith.muli %parallel_loop3A_171, %parallel_loop3A_172 : i32
        %parallel_loop3A_174 = arith.index_cast %parallel_loop3A_169 : i32 to index
        %parallel_loop3A_175 = arith.index_cast %parallel_loop3A_173 : i32 to index
        %parallel_loop3A_176 = tpu.vector_load %arg8[%parallel_loop3A_174, %parallel_loop3A_175] {strides = array<i32>} : memref<16x1024xf32, #tpu.memory_space<vmem>>, vector<1x16xf32>,
        %parallel_loop3A_177 = vector.shape_cast %parallel_loop3A_176 : vector<1x16xf32> to vector<16xf32>
        %parallel_loop3A_178 = vector.broadcast %squeeze3A : f32 to vector<16xf32>
        %parallel_loop3A_179 = arith.mulf %parallel_loop3A_177, %parallel_loop3A_178 : vector<16xf32>
        %parallel_loop3A_180 = arith.index_cast %parallel_loop3A_169 : i32 to index
        %parallel_loop3A_181 = arith.index_cast %parallel_loop3A_173 : i32 to index
        %parallel_loop3A_182 = tpu.vector_load %arg8[%parallel_loop3A_180, %parallel_loop3A_181] {strides = array<i32>} : memref<16x1024xf32, #tpu.memory_space<vmem>>, vector<1x16xf32>,
        %parallel_loop3A_183 = vector.shape_cast %parallel_loop3A_182 : vector<1x16xf32> to vector<16xf32>
        %parallel_loop3A_184 = vector.shape_cast %parallel_loop3A_179 : vector<16xf32> to vector<1x16xf32>
        tpu.vector_store %arg8[%parallel_loop3A_180, %parallel_loop3A_181], %parallel_loop3A_184 {strides = array<i32>} : memref<16x1024xf32, #tpu.memory_space<vmem>>, vector<1x16xf32>,
      } {sc.loop_unroll_factor = 8 : i64, sc.parallel_access}
      %mul3A_59 = arith.constant 16 : i32
      %mul3A_60 = arith.muli %add3A_39, %mul3A_59 : i32
      %add3A_61 = arith.addi %mul3A_2, %mul3A_60 : i32
      %dma_start3A_62 = arith.constant 0 : i32
      %dma_start3A_63 = tpu.memref_slice %arg5[%add3A_61, %dma_start3A_62] : memref<32768x1024xf32, #tpu.memory_space<hbm>> -> memref<16x1024xf32, #tpu.memory_space<hbm>>
      %dma_start3A_64 = arith.constant 0 : i32
      %dma_start3A_65 = tpu.memref_slice %arg5[%add3A_61, %dma_start3A_64] : memref<32768x1024xf32, #tpu.memory_space<hbm>> -> memref<16x1024xf32, #tpu.memory_space<hbm>>
      tpu.enqueue_dma source(%arg8 : memref<16x1024xf32, #tpu.memory_space<vmem>>) target(%dma_start3A_65 : memref<16x1024xf32, #tpu.memory_space<hbm>>) target_semaphore(%arg16 : memref<!tpu.dma_semaphore, #tpu.memory_space<semaphore_mem>>)
      %mul3A_66 = arith.constant 4 : i32
      %mul3A_67 = arith.muli %scan3A_35, %mul3A_66 : i32
      %add3A_68 = arith.constant 1 : i32
      %add3A_69 = arith.addi %mul3A_67, %add3A_68 : i32
      %dma_wait3A_70 = arith.constant 0 : i32
      %dma_wait3A_71 = tpu.memref_slice %arg6[%add3A_69, %dma_wait3A_70] : memref<64x16xi32, #tpu.memory_space<vmem>> -> memref<1x16xi32, #tpu.memory_space<vmem>>
      %dma_wait3A_72 = tpu.memref_squeeze %dma_wait3A_71 : memref<1x16xi32, #tpu.memory_space<vmem>> -> memref<16xi32, #tpu.memory_space<vmem>>
      %dma_wait3A_73 = arith.constant 0 : i32
      %dma_wait3A_74 = arith.constant 0 : i32
      %dma_wait3A_75 = tpu.memref_slice %arg3[%dma_wait3A_73, %dma_wait3A_74] : memref<8192x1024xf32, #tpu.memory_space<hbm>> -> memref<8192x1024xf32, #tpu.memory_space<hbm>>
      tpu.wait_indirect_dma semaphore(%arg13 : memref<!tpu.dma_semaphore, #tpu.memory_space<semaphore_mem>>) src(%dma_wait3A_75 : memref<8192x1024xf32, #tpu.memory_space<hbm>>) dst(%arg9 : memref<16x1024xf32, #tpu.memory_space<vmem>>)
      %sub3A_76 = arith.constant 1 : i32
      %sub3A_77 = arith.subi %add3A_69, %sub3A_76 : i32
      %mul3A_78 = arith.constant 16 : i32
      %mul3A_79 = arith.muli %sub3A_77, %mul3A_78 : i32
      %add3A_80 = arith.addi %mul3A_2, %mul3A_79 : i32
      %dma_wait3A_81 = arith.constant 0 : i32
      %dma_wait3A_82 = tpu.memref_slice %arg5[%add3A_80, %dma_wait3A_81] : memref<32768x1024xf32, #tpu.memory_space<hbm>> -> memref<16x1024xf32, #tpu.memory_space<hbm>>
      %dma_wait3A_83 = arith.constant 0 : i32
      %dma_wait3A_84 = tpu.memref_slice %arg5[%add3A_80, %dma_wait3A_83] : memref<32768x1024xf32, #tpu.memory_space<hbm>> -> memref<16x1024xf32, #tpu.memory_space<hbm>>
      tpu.wait_dma2 semaphore(%arg16 : memref<!tpu.dma_semaphore, #tpu.memory_space<semaphore_mem>>) src(%arg8 : memref<16x1024xf32, #tpu.memory_space<vmem>>) dst(%dma_wait3A_84 : memref<16x1024xf32, #tpu.memory_space<hbm>>)
      %lt3A = arith.constant 15 : i32
      %lt3A_85 = arith.cmpi slt, %scan3A_35, %lt3A : i32
      %convert_element_type3A_86 = arith.extui %lt3A_85 : i1 to i32
      %cond3A_87 = arith.constant 0 : i32
      %cond3A_88 = arith.cmpi ne, %convert_element_type3A_86, %cond3A_87 : i32
      scf.if %cond3A_88 {
        %add3A_167 = arith.constant 4 : i32
        %add3A_168 = arith.addi %add3A_69, %add3A_167 : i32
        %sub3A_169 = arith.constant 1 : i32
        %sub3A_170 = arith.subi %add3A_168, %sub3A_169 : i32
        %dma_start3A_171 = arith.constant 0 : i32
        %dma_start3A_172 = tpu.memref_slice %arg6[%sub3A_170, %dma_start3A_171] : memref<64x16xi32, #tpu.memory_space<vmem>> -> memref<1x16xi32, #tpu.memory_space<vmem>>
        %dma_start3A_173 = tpu.memref_squeeze %dma_start3A_172 : memref<1x16xi32, #tpu.memory_space<vmem>> -> memref<16xi32, #tpu.memory_space<vmem>>
        %dma_start3A_174 = arith.constant 0 : i32
        %dma_start3A_175 = arith.constant 0 : i32
        %dma_start3A_176 = tpu.memref_slice %arg3[%dma_start3A_174, %dma_start3A_175] : memref<8192x1024xf32, #tpu.memory_space<hbm>> -> memref<8192x1024xf32, #tpu.memory_space<hbm>>
        tpu.enqueue_indirect_dma source(%dma_start3A_176 : memref<8192x1024xf32, #tpu.memory_space<hbm>>) target(%arg8 : memref<16x1024xf32, #tpu.memory_space<vmem>>) offsets(%dma_start3A_173 : memref<16xi32, #tpu.memory_space<vmem>>) semaphore(%arg12 : memref<!tpu.dma_semaphore, #tpu.memory_space<semaphore_mem>>)
      } else {
      }
      %parallel_loop3A_89 = arith.constant 0 : i32
      %parallel_loop3A_90 = arith.constant 1024 : i32
      %parallel_loop3A_91 = arith.constant 1 : i32
      scf.for %parallel_loop3A_167 = %parallel_loop3A_89 to %parallel_loop3A_90 step %parallel_loop3A_91  : i32 {
        %parallel_loop3A_168 = arith.constant 6 : i32
        %parallel_loop3A_169 = arith.shrsi %parallel_loop3A_167, %parallel_loop3A_168 : i32
        %parallel_loop3A_170 = arith.constant 63 : i32
        %parallel_loop3A_171 = arith.andi %parallel_loop3A_167, %parallel_loop3A_170 : i32
        %parallel_loop3A_172 = arith.constant 16 : i32
        %parallel_loop3A_173 = arith.muli %parallel_loop3A_171, %parallel_loop3A_172 : i32
        %parallel_loop3A_174 = arith.index_cast %parallel_loop3A_169 : i32 to index
        %parallel_loop3A_175 = arith.index_cast %parallel_loop3A_173 : i32 to index
        %parallel_loop3A_176 = tpu.vector_load %arg9[%parallel_loop3A_174, %parallel_loop3A_175] {strides = array<i32>} : memref<16x1024xf32, #tpu.memory_space<vmem>>, vector<1x16xf32>,
        %parallel_loop3A_177 = vector.shape_cast %parallel_loop3A_176 : vector<1x16xf32> to vector<16xf32>
        %parallel_loop3A_178 = vector.broadcast %squeeze3A : f32 to vector<16xf32>
        %parallel_loop3A_179 = arith.mulf %parallel_loop3A_177, %parallel_loop3A_178 : vector<16xf32>
        %parallel_loop3A_180 = arith.index_cast %parallel_loop3A_169 : i32 to index
        %parallel_loop3A_181 = arith.index_cast %parallel_loop3A_173 : i32 to index
        %parallel_loop3A_182 = tpu.vector_load %arg9[%parallel_loop3A_180, %parallel_loop3A_181] {strides = array<i32>} : memref<16x1024xf32, #tpu.memory_space<vmem>>, vector<1x16xf32>,
        %parallel_loop3A_183 = vector.shape_cast %parallel_loop3A_182 : vector<1x16xf32> to vector<16xf32>
        %parallel_loop3A_184 = vector.shape_cast %parallel_loop3A_179 : vector<16xf32> to vector<1x16xf32>
        tpu.vector_store %arg9[%parallel_loop3A_180, %parallel_loop3A_181], %parallel_loop3A_184 {strides = array<i32>} : memref<16x1024xf32, #tpu.memory_space<vmem>>, vector<1x16xf32>,
      } {sc.loop_unroll_factor = 8 : i64, sc.parallel_access}
      %mul3A_92 = arith.constant 16 : i32
      %mul3A_93 = arith.muli %add3A_69, %mul3A_92 : i32
      %add3A_94 = arith.addi %mul3A_2, %mul3A_93 : i32
      %dma_start3A_95 = arith.constant 0 : i32
      %dma_start3A_96 = tpu.memref_slice %arg5[%add3A_94, %dma_start3A_95] : memref<32768x1024xf32, #tpu.memory_space<hbm>> -> memref<16x1024xf32, #tpu.memory_space<hbm>>
      %dma_start3A_97 = arith.constant 0 : i32
      %dma_start3A_98 = tpu.memref_slice %arg5[%add3A_94, %dma_start3A_97] : memref<32768x1024xf32, #tpu.memory_space<hbm>> -> memref<16x1024xf32, #tpu.memory_space<hbm>>
      tpu.enqueue_dma source(%arg9 : memref<16x1024xf32, #tpu.memory_space<vmem>>) target(%dma_start3A_98 : memref<16x1024xf32, #tpu.memory_space<hbm>>) target_semaphore(%arg17 : memref<!tpu.dma_semaphore, #tpu.memory_space<semaphore_mem>>)
      %mul3A_99 = arith.constant 4 : i32
      %mul3A_100 = arith.muli %scan3A_35, %mul3A_99 : i32
      %add3A_101 = arith.constant 2 : i32
      %add3A_102 = arith.addi %mul3A_100, %add3A_101 : i32
      %dma_wait3A_103 = arith.constant 0 : i32
      %dma_wait3A_104 = tpu.memref_slice %arg6[%add3A_102, %dma_wait3A_103] : memref<64x16xi32, #tpu.memory_space<vmem>> -> memref<1x16xi32, #tpu.memory_space<vmem>>
      %dma_wait3A_105 = tpu.memref_squeeze %dma_wait3A_104 : memref<1x16xi32, #tpu.memory_space<vmem>> -> memref<16xi32, #tpu.memory_space<vmem>>
      %dma_wait3A_106 = arith.constant 0 : i32
      %dma_wait3A_107 = arith.constant 0 : i32
      %dma_wait3A_108 = tpu.memref_slice %arg3[%dma_wait3A_106, %dma_wait3A_107] : memref<8192x1024xf32, #tpu.memory_space<hbm>> -> memref<8192x1024xf32, #tpu.memory_space<hbm>>
      tpu.wait_indirect_dma semaphore(%arg14 : memref<!tpu.dma_semaphore, #tpu.memory_space<semaphore_mem>>) src(%dma_wait3A_108 : memref<8192x1024xf32, #tpu.memory_space<hbm>>) dst(%arg10 : memref<16x1024xf32, #tpu.memory_space<vmem>>)
      %sub3A_109 = arith.constant 1 : i32
      %sub3A_110 = arith.subi %add3A_102, %sub3A_109 : i32
      %mul3A_111 = arith.constant 16 : i32
      %mul3A_112 = arith.muli %sub3A_110, %mul3A_111 : i32
      %add3A_113 = arith.addi %mul3A_2, %mul3A_112 : i32
      %dma_wait3A_114 = arith.constant 0 : i32
      %dma_wait3A_115 = tpu.memref_slice %arg5[%add3A_113, %dma_wait3A_114] : memref<32768x1024xf32, #tpu.memory_space<hbm>> -> memref<16x1024xf32, #tpu.memory_space<hbm>>
      %dma_wait3A_116 = arith.constant 0 : i32
      %dma_wait3A_117 = tpu.memref_slice %arg5[%add3A_113, %dma_wait3A_116] : memref<32768x1024xf32, #tpu.memory_space<hbm>> -> memref<16x1024xf32, #tpu.memory_space<hbm>>
      tpu.wait_dma2 semaphore(%arg17 : memref<!tpu.dma_semaphore, #tpu.memory_space<semaphore_mem>>) src(%arg9 : memref<16x1024xf32, #tpu.memory_space<vmem>>) dst(%dma_wait3A_117 : memref<16x1024xf32, #tpu.memory_space<hbm>>)
      %lt3A_118 = arith.constant 15 : i32
      %lt3A_119 = arith.cmpi slt, %scan3A_35, %lt3A_118 : i32
      %convert_element_type3A_120 = arith.extui %lt3A_119 : i1 to i32
      %cond3A_121 = arith.constant 0 : i32
      %cond3A_122 = arith.cmpi ne, %convert_element_type3A_120, %cond3A_121 : i32
      scf.if %cond3A_122 {
        %add3A_167 = arith.constant 4 : i32
        %add3A_168 = arith.addi %add3A_102, %add3A_167 : i32
        %sub3A_169 = arith.constant 1 : i32
        %sub3A_170 = arith.subi %add3A_168, %sub3A_169 : i32
        %dma_start3A_171 = arith.constant 0 : i32
        %dma_start3A_172 = tpu.memref_slice %arg6[%sub3A_170, %dma_start3A_171] : memref<64x16xi32, #tpu.memory_space<vmem>> -> memref<1x16xi32, #tpu.memory_space<vmem>>
        %dma_start3A_173 = tpu.memref_squeeze %dma_start3A_172 : memref<1x16xi32, #tpu.memory_space<vmem>> -> memref<16xi32, #tpu.memory_space<vmem>>
        %dma_start3A_174 = arith.constant 0 : i32
        %dma_start3A_175 = arith.constant 0 : i32
        %dma_start3A_176 = tpu.memref_slice %arg3[%dma_start3A_174, %dma_start3A_175] : memref<8192x1024xf32, #tpu.memory_space<hbm>> -> memref<8192x1024xf32, #tpu.memory_space<hbm>>
        tpu.enqueue_indirect_dma source(%dma_start3A_176 : memref<8192x1024xf32, #tpu.memory_space<hbm>>) target(%arg9 : memref<16x1024xf32, #tpu.memory_space<vmem>>) offsets(%dma_start3A_173 : memref<16xi32, #tpu.memory_space<vmem>>) semaphore(%arg13 : memref<!tpu.dma_semaphore, #tpu.memory_space<semaphore_mem>>)
      } else {
      }
      %parallel_loop3A_123 = arith.constant 0 : i32
      %parallel_loop3A_124 = arith.constant 1024 : i32
      %parallel_loop3A_125 = arith.constant 1 : i32
      scf.for %parallel_loop3A_167 = %parallel_loop3A_123 to %parallel_loop3A_124 step %parallel_loop3A_125  : i32 {
        %parallel_loop3A_168 = arith.constant 6 : i32
        %parallel_loop3A_169 = arith.shrsi %parallel_loop3A_167, %parallel_loop3A_168 : i32
        %parallel_loop3A_170 = arith.constant 63 : i32
        %parallel_loop3A_171 = arith.andi %parallel_loop3A_167, %parallel_loop3A_170 : i32
        %parallel_loop3A_172 = arith.constant 16 : i32
        %parallel_loop3A_173 = arith.muli %parallel_loop3A_171, %parallel_loop3A_172 : i32
        %parallel_loop3A_174 = arith.index_cast %parallel_loop3A_169 : i32 to index
        %parallel_loop3A_175 = arith.index_cast %parallel_loop3A_173 : i32 to index
        %parallel_loop3A_176 = tpu.vector_load %arg10[%parallel_loop3A_174, %parallel_loop3A_175] {strides = array<i32>} : memref<16x1024xf32, #tpu.memory_space<vmem>>, vector<1x16xf32>,
        %parallel_loop3A_177 = vector.shape_cast %parallel_loop3A_176 : vector<1x16xf32> to vector<16xf32>
        %parallel_loop3A_178 = vector.broadcast %squeeze3A : f32 to vector<16xf32>
        %parallel_loop3A_179 = arith.mulf %parallel_loop3A_177, %parallel_loop3A_178 : vector<16xf32>
        %parallel_loop3A_180 = arith.index_cast %parallel_loop3A_169 : i32 to index
        %parallel_loop3A_181 = arith.index_cast %parallel_loop3A_173 : i32 to index
        %parallel_loop3A_182 = tpu.vector_load %arg10[%parallel_loop3A_180, %parallel_loop3A_181] {strides = array<i32>} : memref<16x1024xf32, #tpu.memory_space<vmem>>, vector<1x16xf32>,
        %parallel_loop3A_183 = vector.shape_cast %parallel_loop3A_182 : vector<1x16xf32> to vector<16xf32>
        %parallel_loop3A_184 = vector.shape_cast %parallel_loop3A_179 : vector<16xf32> to vector<1x16xf32>
        tpu.vector_store %arg10[%parallel_loop3A_180, %parallel_loop3A_181], %parallel_loop3A_184 {strides = array<i32>} : memref<16x1024xf32, #tpu.memory_space<vmem>>, vector<1x16xf32>,
      } {sc.loop_unroll_factor = 8 : i64, sc.parallel_access}
      %mul3A_126 = arith.constant 16 : i32
      %mul3A_127 = arith.muli %add3A_102, %mul3A_126 : i32
      %add3A_128 = arith.addi %mul3A_2, %mul3A_127 : i32
      %dma_start3A_129 = arith.constant 0 : i32
      %dma_start3A_130 = tpu.memref_slice %arg5[%add3A_128, %dma_start3A_129] : memref<32768x1024xf32, #tpu.memory_space<hbm>> -> memref<16x1024xf32, #tpu.memory_space<hbm>>
      %dma_start3A_131 = arith.constant 0 : i32
      %dma_start3A_132 = tpu.memref_slice %arg5[%add3A_128, %dma_start3A_131] : memref<32768x1024xf32, #tpu.memory_space<hbm>> -> memref<16x1024xf32, #tpu.memory_space<hbm>>
      tpu.enqueue_dma source(%arg10 : memref<16x1024xf32, #tpu.memory_space<vmem>>) target(%dma_start3A_132 : memref<16x1024xf32, #tpu.memory_space<hbm>>) target_semaphore(%arg18 : memref<!tpu.dma_semaphore, #tpu.memory_space<semaphore_mem>>)
      %mul3A_133 = arith.constant 4 : i32
      %mul3A_134 = arith.muli %scan3A_35, %mul3A_133 : i32
      %add3A_135 = arith.constant 3 : i32
      %add3A_136 = arith.addi %mul3A_134, %add3A_135 : i32
      %dma_wait3A_137 = arith.constant 0 : i32
      %dma_wait3A_138 = tpu.memref_slice %arg6[%add3A_136, %dma_wait3A_137] : memref<64x16xi32, #tpu.memory_space<vmem>> -> memref<1x16xi32, #tpu.memory_space<vmem>>
      %dma_wait3A_139 = tpu.memref_squeeze %dma_wait3A_138 : memref<1x16xi32, #tpu.memory_space<vmem>> -> memref<16xi32, #tpu.memory_space<vmem>>
      %dma_wait3A_140 = arith.constant 0 : i32
      %dma_wait3A_141 = arith.constant 0 : i32
      %dma_wait3A_142 = tpu.memref_slice %arg3[%dma_wait3A_140, %dma_wait3A_141] : memref<8192x1024xf32, #tpu.memory_space<hbm>> -> memref<8192x1024xf32, #tpu.memory_space<hbm>>
      tpu.wait_indirect_dma semaphore(%arg15 : memref<!tpu.dma_semaphore, #tpu.memory_space<semaphore_mem>>) src(%dma_wait3A_142 : memref<8192x1024xf32, #tpu.memory_space<hbm>>) dst(%arg11 : memref<16x1024xf32, #tpu.memory_space<vmem>>)
      %sub3A_143 = arith.constant 1 : i32
      %sub3A_144 = arith.subi %add3A_136, %sub3A_143 : i32
      %mul3A_145 = arith.constant 16 : i32
      %mul3A_146 = arith.muli %sub3A_144, %mul3A_145 : i32
      %add3A_147 = arith.addi %mul3A_2, %mul3A_146 : i32
      %dma_wait3A_148 = arith.constant 0 : i32
      %dma_wait3A_149 = tpu.memref_slice %arg5[%add3A_147, %dma_wait3A_148] : memref<32768x1024xf32, #tpu.memory_space<hbm>> -> memref<16x1024xf32, #tpu.memory_space<hbm>>
      %dma_wait3A_150 = arith.constant 0 : i32
      %dma_wait3A_151 = tpu.memref_slice %arg5[%add3A_147, %dma_wait3A_150] : memref<32768x1024xf32, #tpu.memory_space<hbm>> -> memref<16x1024xf32, #tpu.memory_space<hbm>>
      tpu.wait_dma2 semaphore(%arg18 : memref<!tpu.dma_semaphore, #tpu.memory_space<semaphore_mem>>) src(%arg10 : memref<16x1024xf32, #tpu.memory_space<vmem>>) dst(%dma_wait3A_151 : memref<16x1024xf32, #tpu.memory_space<hbm>>)
      %lt3A_152 = arith.constant 15 : i32
      %lt3A_153 = arith.cmpi slt, %scan3A_35, %lt3A_152 : i32
      %convert_element_type3A_154 = arith.extui %lt3A_153 : i1 to i32
      %cond3A_155 = arith.constant 0 : i32
      %cond3A_156 = arith.cmpi ne, %convert_element_type3A_154, %cond3A_155 : i32
      scf.if %cond3A_156 {
        %add3A_167 = arith.constant 4 : i32
        %add3A_168 = arith.addi %add3A_136, %add3A_167 : i32
        %sub3A_169 = arith.constant 1 : i32
        %sub3A_170 = arith.subi %add3A_168, %sub3A_169 : i32
        %dma_start3A_171 = arith.constant 0 : i32
        %dma_start3A_172 = tpu.memref_slice %arg6[%sub3A_170, %dma_start3A_171] : memref<64x16xi32, #tpu.memory_space<vmem>> -> memref<1x16xi32, #tpu.memory_space<vmem>>
        %dma_start3A_173 = tpu.memref_squeeze %dma_start3A_172 : memref<1x16xi32, #tpu.memory_space<vmem>> -> memref<16xi32, #tpu.memory_space<vmem>>
        %dma_start3A_174 = arith.constant 0 : i32
        %dma_start3A_175 = arith.constant 0 : i32
        %dma_start3A_176 = tpu.memref_slice %arg3[%dma_start3A_174, %dma_start3A_175] : memref<8192x1024xf32, #tpu.memory_space<hbm>> -> memref<8192x1024xf32, #tpu.memory_space<hbm>>
        tpu.enqueue_indirect_dma source(%dma_start3A_176 : memref<8192x1024xf32, #tpu.memory_space<hbm>>) target(%arg10 : memref<16x1024xf32, #tpu.memory_space<vmem>>) offsets(%dma_start3A_173 : memref<16xi32, #tpu.memory_space<vmem>>) semaphore(%arg14 : memref<!tpu.dma_semaphore, #tpu.memory_space<semaphore_mem>>)
      } else {
      }
      %parallel_loop3A_157 = arith.constant 0 : i32
      %parallel_loop3A_158 = arith.constant 1024 : i32
      %parallel_loop3A_159 = arith.constant 1 : i32
      scf.for %parallel_loop3A_167 = %parallel_loop3A_157 to %parallel_loop3A_158 step %parallel_loop3A_159  : i32 {
        %parallel_loop3A_168 = arith.constant 6 : i32
        %parallel_loop3A_169 = arith.shrsi %parallel_loop3A_167, %parallel_loop3A_168 : i32
        %parallel_loop3A_170 = arith.constant 63 : i32
        %parallel_loop3A_171 = arith.andi %parallel_loop3A_167, %parallel_loop3A_170 : i32
        %parallel_loop3A_172 = arith.constant 16 : i32
        %parallel_loop3A_173 = arith.muli %parallel_loop3A_171, %parallel_loop3A_172 : i32
        %parallel_loop3A_174 = arith.index_cast %parallel_loop3A_169 : i32 to index
        %parallel_loop3A_175 = arith.index_cast %parallel_loop3A_173 : i32 to index
        %parallel_loop3A_176 = tpu.vector_load %arg11[%parallel_loop3A_174, %parallel_loop3A_175] {strides = array<i32>} : memref<16x1024xf32, #tpu.memory_space<vmem>>, vector<1x16xf32>,
        %parallel_loop3A_177 = vector.shape_cast %parallel_loop3A_176 : vector<1x16xf32> to vector<16xf32>
        %parallel_loop3A_178 = vector.broadcast %squeeze3A : f32 to vector<16xf32>
        %parallel_loop3A_179 = arith.mulf %parallel_loop3A_177, %parallel_loop3A_178 : vector<16xf32>
        %parallel_loop3A_180 = arith.index_cast %parallel_loop3A_169 : i32 to index
        %parallel_loop3A_181 = arith.index_cast %parallel_loop3A_173 : i32 to index
        %parallel_loop3A_182 = tpu.vector_load %arg11[%parallel_loop3A_180, %parallel_loop3A_181] {strides = array<i32>} : memref<16x1024xf32, #tpu.memory_space<vmem>>, vector<1x16xf32>,
        %parallel_loop3A_183 = vector.shape_cast %parallel_loop3A_182 : vector<1x16xf32> to vector<16xf32>
        %parallel_loop3A_184 = vector.shape_cast %parallel_loop3A_179 : vector<16xf32> to vector<1x16xf32>
        tpu.vector_store %arg11[%parallel_loop3A_180, %parallel_loop3A_181], %parallel_loop3A_184 {strides = array<i32>} : memref<16x1024xf32, #tpu.memory_space<vmem>>, vector<1x16xf32>,
      } {sc.loop_unroll_factor = 8 : i64, sc.parallel_access}
      %mul3A_160 = arith.constant 16 : i32
      %mul3A_161 = arith.muli %add3A_136, %mul3A_160 : i32
      %add3A_162 = arith.addi %mul3A_2, %mul3A_161 : i32
      %dma_start3A_163 = arith.constant 0 : i32
      %dma_start3A_164 = tpu.memref_slice %arg5[%add3A_162, %dma_start3A_163] : memref<32768x1024xf32, #tpu.memory_space<hbm>> -> memref<16x1024xf32, #tpu.memory_space<hbm>>
      %dma_start3A_165 = arith.constant 0 : i32
      %dma_start3A_166 = tpu.memref_slice %arg5[%add3A_162, %dma_start3A_165] : memref<32768x1024xf32, #tpu.memory_space<hbm>> -> memref<16x1024xf32, #tpu.memory_space<hbm>>
      tpu.enqueue_dma source(%arg11 : memref<16x1024xf32, #tpu.memory_space<vmem>>) target(%dma_start3A_166 : memref<16x1024xf32, #tpu.memory_space<hbm>>) target_semaphore(%arg19 : memref<!tpu.dma_semaphore, #tpu.memory_space<semaphore_mem>>)
    }
    %scan3A_29 = arith.constant 16 : i32
    %add3A_30 = arith.constant 1008 : i32
    %add3A_31 = arith.addi %mul3A_2, %add3A_30 : i32
    %dma_wait3A = arith.constant 0 : i32
    %dma_wait3A_32 = tpu.memref_slice %arg5[%add3A_31, %dma_wait3A] : memref<32768x1024xf32, #tpu.memory_space<hbm>> -> memref<16x1024xf32, #tpu.memory_space<hbm>>
    %dma_wait3A_33 = arith.constant 0 : i32
    %dma_wait3A_34 = tpu.memref_slice %arg5[%add3A_31, %dma_wait3A_33] : memref<32768x1024xf32, #tpu.memory_space<hbm>> -> memref<16x1024xf32, #tpu.memory_space<hbm>>
    tpu.wait_dma2 semaphore(%arg19 : memref<!tpu.dma_semaphore, #tpu.memory_space<semaphore_mem>>) src(%arg11 : memref<16x1024xf32, #tpu.memory_space<vmem>>) dst(%dma_wait3A_34 : memref<16x1024xf32, #tpu.memory_space<hbm>>)
    return
  }
}

</mosaic_0001>

<sc_bundles>
// kernel: _lookup.3.cloned.1.call-start
scs
__scs_entry_jumppad:
0x0: {  	(pc) =	sbr.rel $0x88, $3  }
0x1: {  	(tag) =	ssettag $0x0;
	lr =	simm.s32 $0x1  }
0x2: {  	[smem:$0x3F9E] =	sst lr;
	_ =	strace $0xD0000000  }
0x3: {  	_ = 	snop  }
0x4: {  	_ = 	snop  }
0x5: {  	_ = 	snop  }
0x6: {  	_ = 	snop  }
0x7: {  	_ = 	snop  }
__scs_overlays_trampoline_lowered:
0x8: {  	[smem:$0x3FAD] =	sst s0  }
0x9: {  	[smem:$0x3FAE] =	sst s1  }
0xa: {  	[smem:$0x3FAF] =	sst s2  }
0xb: {  	[smem:$0x3FB0] =	sst s3  }
0xc: {  	[smem:$0x3FB1] =	sst s4  }
0xd: {  	[smem:$0x3FB2] =	sst s5  }
0xe: {  	[smem:$0x3FB3] =	sst s6  }
0xf: {  	[smem:$0x3FB4] =	sst s7  }
0x10: {  	[smem:$0x3FB5] =	sst s8  }
0x11: {  	[smem:$0x3FB6] =	sst s9;
	s0 =	simm.s32 @!p0 $0x0  }
0x12: {  	s1 =	sld [smem:$0x3F9C];
	s0 =	simm.s32 @p0 $0x1  }
0x13: {  	[smem:$0x3FB7] =	sst s0;
	s0 =	simm.s32 @!p1 $0x0  }
0x14: {  	s2 =	sld [smem:$0x3F9B];
	s0 =	simm.s32 @p1 $0x1  }
0x15: {  	[smem:$0x3FB8] =	sst s0;
	s0 =	simm.s32 @!p2 $0x0  }
0x16: {  	s3 =	sld [smem:$0x3FDB];
	s0 =	simm.s32 @p2 $0x1  }
0x17: {  	s4 =	simm.s32 $0x1BF5;
	[smem:$0x3FBA] =	sst s0  }
0x18: {  	s0 =	sld [smem:$0x3F9D];
	_ =	swait.ge [sflag:s4], $0x0  }
0x19: {  	s7 =	sld [smem:$0x3F9E]  }
0x1a: {  	s8 =	sadd.s32 $0xFFFFE003, lr  }
0x1b: {  	s9 =	sadd.s32 $0xFFFFFEF7, lr;
	s5 =	simm.s32 $0xFFFFFFFF;
	p2 =	slt.u32 s8, $0xFFFFF086  }
0x1c: {  	p1 =	slt.u32 s9, $0xF7A;
	s5 =	simm.s32 @!p2 $0x0  }
0x1d: {  	s5 =	simm.s32 @p1 $0x1;
	p0 =	seq.s32 s7, s2  }
0x1e: {  	s7 =	smul.u32 @!p0 $0xF7A, s2;
	p2 =	seq.s32 @!p0 s5, $0x0  }
0x1f: {  	s9 =	smul.u32 $0xF7A, s1;
	s8 =	simm.s32 @!p0 $0x1BF5;
	p2 =	por !p2, p0  }
0x20: {  	[sflag:s8] =	ssyncset.s32 @!p0 $0xFFFFF086;
	s6 =	sadd.s32 @!p0 s3, s7;
	s7 =	simm.s32 @!p0 $0x108  }
0x21: {  	s3 =	sadd.s32 s3, s9;
	s6 =	sadd.s32 @!p0 $0x88, s6;
	s7 =	simm.s32 @p2 $0x1082  }
0x22: {  	[simem:s7], [sflag:s8] =	dma.local @!p0 [hbm:s6], $0xF7A  }
0x23: {  	s9 =	sor.u32 $0xD0000000, s2;
	s6 =	simm.s32 $0x108;
	_ =	swait.ge @!p0 [sflag:s8], $0x0  }
0x24: {  	s3 =	sadd.s32 $0x88, s3;
	s6 =	simm.s32 @!p1 $0x1082;
	[sflag:s4] =	ssyncset.s32 $0xFFFFF086  }
0x25: {  	[simem:s6], [sflag:s4] =	dma.local [hbm:s3], $0xF7A  }
0x26: {  	[smem:$0x3F9E] =	sst s1;
	(tag) =	ssettag s2;
	_ =	strace s9  }
0x27: {  	s1 =	sld [smem:$0x3FAE]  }
0x28: {  	s2 =	sld [smem:$0x3FAF]  }
0x29: {  	s4 =	sld [smem:$0x3FB1]  }
0x2a: {  	p0 =	seq.s32 s5, $0x0;
	s5 =	sld [smem:$0x3FB2]  }
0x2b: {  	s6 =	sld [smem:$0x3FB3]  }
0x2c: {  	s7 =	sld [smem:$0x3FB4]  }
0x2d: {  	s3 =	simm.s32 $0x108;
	s8 =	sld [smem:$0x3FB5]  }
0x2e: {  	s3 =	simm.s32 @!p0 $0x1082;
	s9 =	sld [smem:$0x3FB6]  }
0x2f: {  	lr =	sadd.s32 s0, s3;
	s0 =	sld [smem:$0x3FAD]  }
0x30: {  	s3 =	sld [smem:$0x3FB0]  }
0x31: {  	[smem:$0x3FB9] =	sst s10  }
0x32: {  	s10 =	sld [smem:$0x3FB7];
	_ =	sdelay $0x3  }
0x33: {  	p0 =	seq.s32 s10, $0x1;
	s10 =	sld [smem:$0x3FB9];
	_ =	sdelay $0x3  }
0x34: {  	[smem:$0x3FB9] =	sst s10  }
0x35: {  	s10 =	sld [smem:$0x3FB8];
	_ =	sdelay $0x3  }
0x36: {  	p1 =	seq.s32 s10, $0x1;
	s10 =	sld [smem:$0x3FB9];
	_ =	sdelay $0x3  }
0x37: {  	[smem:$0x3FB9] =	sst s10  }
0x38: {  	s10 =	sld [smem:$0x3FBA]  }
0x39: {  	_ = 	snop;
	(pc) =	sbr.ind lr, $3  }
0x3a: {  	_ = 	snop  }
0x3b: {  	_ = 	snop  }
0x3c: {  	p2 =	seq.s32 s10, $0x1;
	s10 =	sld [smem:$0x3FB9]  }
0x3d: {  	_ =	shalt  }
0x3e: {  	_ =	shalt  }
0x3f: {  	_ =	shalt  }
0x40: {  	_ =	shalt  }
0x41: {  	_ =	shalt  }
0x42: {  	_ =	shalt  }
0x43: {  	_ =	shalt  }
0x44: {  	_ =	shalt  }
0x45: {  	_ =	shalt  }
0x46: {  	_ =	shalt  }
0x47: {  	_ =	shalt  }
0x48: {  	_ =	shalt  }
0x49: {  	_ =	shalt  }
0x4a: {  	_ =	shalt  }
0x4b: {  	_ =	shalt  }
0x4c: {  	_ =	shalt  }
0x4d: {  	_ =	shalt  }
0x4e: {  	_ =	shalt  }
0x4f: {  	_ =	shalt  }
0x50: {  	_ =	shalt  }
0x51: {  	_ =	shalt  }
0x52: {  	_ =	shalt  }
0x53: {  	_ =	shalt  }
0x54: {  	_ =	shalt  }
0x55: {  	_ =	shalt  }
0x56: {  	_ =	shalt  }
0x57: {  	_ =	shalt  }
0x58: {  	_ =	shalt  }
0x59: {  	_ =	shalt  }
0x5a: {  	_ =	shalt  }
0x5b: {  	_ =	shalt  }
0x5c: {  	_ =	shalt  }
0x5d: {  	_ =	shalt  }
0x5e: {  	_ =	shalt  }
0x5f: {  	_ =	shalt  }
0x60: {  	_ =	shalt  }
0x61: {  	_ =	shalt  }
0x62: {  	_ =	shalt  }
0x63: {  	_ =	shalt  }
0x64: {  	_ =	shalt  }
0x65: {  	_ =	shalt  }
0x66: {  	_ =	shalt  }
0x67: {  	_ =	shalt  }
0x68: {  	_ =	shalt  }
0x69: {  	_ =	shalt  }
0x6a: {  	_ =	shalt  }
0x6b: {  	_ =	shalt  }
0x6c: {  	_ =	shalt  }
0x6d: {  	_ =	shalt  }
0x6e: {  	_ =	shalt  }
0x6f: {  	_ =	shalt  }
0x70: {  	_ =	shalt  }
0x71: {  	_ =	shalt  }
0x72: {  	_ =	shalt  }
0x73: {  	_ =	shalt  }
0x74: {  	_ =	shalt  }
0x75: {  	_ =	shalt  }
0x76: {  	_ =	shalt  }
0x77: {  	_ =	shalt  }
0x78: {  	_ =	shalt  }
0x79: {  	_ =	shalt  }
0x7a: {  	_ =	shalt  }
0x7b: {  	_ =	shalt  }
0x7c: {  	_ =	shalt  }
0x7d: {  	_ =	shalt  }
0x7e: {  	_ =	shalt  }
0x7f: {  	_ =	shalt  }
0x80: {  	_ =	shalt  }
0x81: {  	_ =	shalt  }
0x82: {  	_ =	shalt  }
0x83: {  	_ =	shalt  }
0x84: {  	_ =	shalt  }
0x85: {  	_ =	shalt  }
0x86: {  	_ =	shalt  }
0x87: {  	_ =	shalt  }
.Lfunc_end0:
.L_simem_size_0:
called_computation_lowered:
.L_overlay_start_0:
0x88: {  	s2 =	sld [smem:$0x3FD9]  }
0x89: {  	s3 =	sld [smem:$0x3FFE];
	_ =	sdelay $0x1  }
0x8a: {  	s1 =	srdreg.scid  }
0x8b: {  	s0 =	sand.u32 $0x1, s1  }
0x8c: {  	s17 =	sshll.u32 s0, $0xA;
	s2 =	sadd.s32 s3, s2  }
0x8d: {  	s2 =	sadd.s32 s2, s17  }
0x8e: {  	[smem:$0x3FC5] =	sst s2  }
0x8f: {  	_ = 	snop  }
0x90: {  	s2 =	sld [smem:$0x3FC8]  }
0x91: {  	s18 =	sld [smem:$0x3FC7]  }
0x92: {  	s4 =	sld [smem:$0x3FD0];
	(tm) =	ssettm $0x1  }
0x93: {  	s5 =	sld [smem:$0x3FFB];
	_ =	sdelay $0x3  }
0x94: {  	_ =	strace s5  }
0x95: {  	s5 =	sld [smem:$0x3FFC];
	_ =	sdelay $0x3  }
0x96: {  	_ =	strace s5  }
0x97: {  	s5 =	sld [smem:$0x3FFD];
	_ =	sdelay $0x3  }
0x98: {  	_ =	strace s5  }
0x99: {  	_ =	strace $0x8FFFFFFF  }
0x9a: {  	s19 =	sld [smem:$0x3FDB];
	_ =	sdelay $0x1  }
0x9b: {  	s6 =	simm.s32 $_scs_section_size  }
0x9c: {  	s7 =	simm.s32 $_size__tile_overlayer_lowered;
	s8 =	simm.s32 $_tile_overlayer_lowered  }
0x9d: {  	s22 =	simm.s32 $0x1BFF;
	s21 =	sshll.u32 s8, $0x1;
	s5 =	sadd.s32 s6, s19  }
0x9e: {  	s9 =	simm.s32 $0x0;
	s20 =	sshll.u32 s7, $0x1;
	s7 =	sadd.s32 s21, s5  }
0x9f: {  	[timem:s9], [sflag:s22] =	dma.local [hbm:s7], s20  }
0xa0: {  	_ =	swait.ge [sflag:s22], s20  }
0xa1: {  	s6 =	ssub.s32 $0x0, s20;
	[sflag:s22] =	ssyncset.done $0x0  }
0xa2: {  	[sflag:s22] =	ssyncadd.s32 s6;
	_ =	sdelay $0x1  }
0xa3: {  	s23 =	simm.s32 $0x1B8B  }
0xa4: {  	_ =	swait.ge [sflag:s23], $0x1  }
0xa5: {  	[sflag:s23] =	ssyncset.done $0x0  }
0xa6: {  	s25 =	simm.s32 $0x1B8E;
	s24 =	sld [smem:$0x3FFE];
	[sflag:s23] =	ssyncadd.s32 $0xFFFFFFFF  }
0xa7: {  	s26 =	simm.s32 $execute0_lowered;
	[smem:$0x3FD2] =	sst s25  }
0xa8: {  	s7 =	sshll.u32 s26, $0x1;
	_ =	strace $0x80000046;
	[dreg:$0x1] =	wrdreg $0xFFFFFFFF  }
0xa9: {  	s28 =	simm.s32 $_size_execute0_lowered;
	s5 =	sadd.s32 s5, s7;
	[dreg:$0x0] =	wrdreg $0x0  }
0xaa: {  	s7 =	sshll.u32 s28, $0x1;
	[dreg:$0x2] =	wrdreg s5  }
0xab: {  	[dreg:$0x3] =	wrdreg s7  }
0xac: {  	[dreg:$0x4] =	wrdreg $0xC0  }
0xad: {  	_ =	task [dreg:s9], $0x5FFFF  }
0xae: {  	[dreg:$0x1] =	wrdreg $0xFFFFFFFF  }
0xaf: {  	[dreg:$0x0] =	wrdreg $0x60  }
0xb0: {  	[dreg:$0x2] =	wrdreg s24  }
0xb1: {  	[dreg:$0x3] =	wrdreg s2  }
0xb2: {  	[dreg:$0x4] =	wrdreg s18  }
0xb3: {  	[dreg:$0x5] =	wrdreg s4  }
0xb4: {  	[dreg:$0x6] =	wrdreg $0x9  }
0xb5: {  	_ =	task.clear_ibuf [dreg:s9], $0x7FFFF;
	_ =	strace $0x90000046  }
0xb6: {  	s29 =	simm.s32 $0x9;
	_ =	strace $0x80000048  }
0xb7: {  	_ =	swait.ge [sflag:s29], $0x1  }
0xb8: {  	[sflag:s29] =	ssyncadd.s32 $0xFFFFFFFF  }
0xb9: {  	_ =	strace $0x90000048  }
0xba: {  	_ =	sfence  }
0xbb: {  	s30 =	sld [smem:$0x0];
	_ =	sdelay $0x2  }
0xbc: {  	s31 =	sshll.u32 s1, $0xD;
	s1 =	sshrl.u32 s1, $0x2  }
0xbd: {  	s3 =	sand.u32 $0x4000, s31;
	s1 =	sadd.s32 s1, s30  }
0xbe: {  	s0 =	sor.u32 s3, s0;
	s1 =	sshll.u32 s1, $0x11  }
0xbf: {  	s0 =	sor.u32 s1, s0  }
0xc0: {  	s0 =	sadd.s32 $0x8F2B, s0  }
0xc1: {  	[sflag:s0] =	ssyncadd.remote.s32 $0x1  }
0xc2: {  	_ =	sfence.sel $0xFFFF  }
0xc3: {  	[dreg:$0x0] =	wrdreg $0xFFFFFFFF;
	(pc) =	sbr.abs _section_cstart, $3  }
0xc4: {  	[dreg:$0x1] =	wrdreg $0xFFFFFFFF  }
0xc5: {  	_ =	task.clear_ibuf [dreg:s9], $0x2FFFF;
	_ =	strace $0x9FFFFFFF  }
0xc6: {  	(tm) =	ssettm $0x7FFFFFFF  }
0xc7: {  	_ =	shalt  }
tec
execute0_lowered:
.L_overlay_start_1:
0x0: {  	(tag) =	ssettag $0x1  }
0x1: {  	s0 =	rddreg [dreg:$0x0]  }
0x2: {  	s1 =	rddreg [dreg:$0x1];
	s2 =	srdreg.scid  }
0x3: {  	s3 =	stileid.u32;
	s7 =	rddreg [dreg:$0x3];
	s5 =	simm.s32 $0x0  }
0x4: {  	s23 =	simm.s32 $0x6080;
	s20 =	simm.s32 $0x1;
	s21 =	simm.s32 $0xE080  }
0x5: {  	s28 =	simm.s32 $0x10880;
	s29 =	simm.s32 $0x11080;
	s30 =	simm.s32 $0x11880  }
0x6: {  	s31 =	simm.s32 $0x2;
	s14 =	simm.s32 $0x6;
	s16 =	simm.s32 $0x4  }
0x7: {  	s17 =	simm.s32 $0x7;
	s12 =	simm.s32 $0x0;
	s2 =	sand.u32 $0x1, s2  }
0x8: {  	s3 =	sshll.u32 s3, $0x1;
	[smem:$0x7FF] =	sst s5;
	s8 =	sadd.s32 $0x100, s1  }
0x9: {  	s9 =	sadd.s32 $0x200, s1;
	s10 =	sadd.s32 $0x300, s1;
	s3 =	sor.u32 s2, s3  }
0xa: {  	s2 =	ssub.s32 $0x2, s2;
	_ =	strace $0x80000047;
	s6 =	sshll.u32 s3, $0xA  }
0xb: {  	s4 =	sshrl.u32 s2, $0x1;
	s25 =	sshll.u32 s3, $0x11;
	s0 =	sadd.s32 s6, s0  }
0xc: {  	v2 =	vlaneseq.u32;
	s3 =	simm.s32 $0x3;
	s2 =	ssub.s32 s2, s4;
	s0 =	sadd.s32 $0x400, s0  }
0xd: {  	vm0 =	vmmov $0xffff;
	v1 =	vshrl.u32 v2, $0x3;
	s11 =	sadd.s32 s7, s25;
	s26 =	smax.u32 s2, $0x1;
	[dreg:$0x5] =	wrdreg s0  }
0xe: {  	v0 =	vand.u32 $0x7, v2;
	v2 =	vor.u32 $0x8, v2;
	v1 =	vmul.u32 $0x8, v1;
	s2 =	simm.s32 $0xA080;
	[dreg:$0x6] =	wrdreg s26;
	s0 =	simm.s32 $0x5  }
.LBB2_1:
0xf: {  	[dreg:$0x7] =	wrdreg s12  }
0x10: {  	s4 =	rddreg [dreg:$0x5];
	s7 =	simm.s32 $0x9  }
0x11: {  	[tilespmem:s5], [sflag:$0x9] =	stream.linear.gather [hbm4b:s4+s5], $0x2000, $0x38;
	[tilespmem:$0x12080] =	vst v63  }
0x12: {  	_ =	swait.ge [sflag:s7], $0x2000  }
0x13: {  	[sflag:s7] =	ssyncset.done $0x0  }
0x14: {  	[sflag:s7] =	ssyncadd.s32 $0xFFFFE000  }
0x15: {  	s24 =	simm.s32 $0x2000;
	s22 =	rddreg [dreg:$0x2]  }
0x16: {  	[tilespmem:s24], [sflag:$0x9] =	stream.linear.gather [hbm4b:s22+s5], $0x1, $0x38;
	[tilespmem:$0x12080] =	vst v63  }
0x17: {  	_ =	swait.ge [sflag:s7], $0x1  }
0x18: {  	[sflag:s7] =	ssyncset.done $0x0  }
0x19: {  	[sflag:s7] =	ssyncadd.s32 $0xFFFFFFFF  }
0x1a: {  	v3 =	vld [tilespmem:$0x0];
	_ =	sdelay $0x4  }
0x1b: {  	v4 =	vshll.u32 v3, $0x3  }
0x1c: {  	v3 =	vand.u32 $0x7, v3;
	v4 =	vand.u32 $0xFFFFFFC0, v4  }
0x1d: {  	v4 =	vor.u32 v3, v4  }
0x1e: {  	v3 =	vperm.xlane v4, v0;
	_ =	sdelay $0x1  }
0x1f: {  	v5 =	vadd.s32 v1, v3;
	_ =	sdelay $0x3  }
0x20: {  	s25 =	simm.s32 $0x2080  }
0x21: {  	v3 =	vld.msk [tilespmem:$0x2000 ss:$0x0], $0xffff;
	[tilespmem:s25], [sflag:$0x1] =	stream.indirect_vreg.gather [hbm4b:s1+s5], $0x80, v5, vm0, $0xb8  }
0x22: {  	s26 =	simm.s32 $0x2880;
	v4 =	vperm.xlane v4, v2  }
0x23: {  	[tilespmem:s26], [sflag:$0x1] =	stream.indirect_vreg.gather [hbm4b:s8+s5], $0x80, v5, vm0, $0xb8;
	[tilespmem:$0x12080] =	vst v63  }
0x24: {  	s7 =	simm.s32 $0x3080;
	v4 =	vadd.s32 v1, v4  }
0x25: {  	[tilespmem:s7], [sflag:$0x1] =	stream.indirect_vreg.gather [hbm4b:s9+s5], $0x80, v5, vm0, $0xb8;
	[tilespmem:$0x12080] =	vst v63  }
0x26: {  	s12 =	simm.s32 $0x3880  }
0x27: {  	[tilespmem:s12], [sflag:$0x1] =	stream.indirect_vreg.gather [hbm4b:s10+s5], $0x80, v5, vm0, $0xb8;
	[tilespmem:$0x12080] =	vst v63  }
0x28: {  	s13 =	simm.s32 $0x4080  }
0x29: {  	[tilespmem:s13], [sflag:$0x1] =	stream.indirect_vreg.gather [hbm4b:s1+s5], $0x80, v4, vm0, $0xb8;
	[tilespmem:$0x12080] =	vst v63  }
0x2a: {  	s15 =	simm.s32 $0x4880  }
0x2b: {  	[tilespmem:s15], [sflag:$0x1] =	stream.indirect_vreg.gather [hbm4b:s8+s5], $0x80, v4, vm0, $0xb8;
	[tilespmem:$0x12080] =	vst v63  }
0x2c: {  	s18 =	simm.s32 $0x5080  }
0x2d: {  	[tilespmem:s18], [sflag:$0x1] =	stream.indirect_vreg.gather [hbm4b:s9+s5], $0x80, v4, vm0, $0xb8;
	[tilespmem:$0x12080] =	vst v63  }
0x2e: {  	s19 =	simm.s32 $0x5880  }
0x2f: {  	[tilespmem:s19], [sflag:$0x1] =	stream.indirect_vreg.gather [hbm4b:s10+s5], $0x80, v4, vm0, $0xb8;
	[tilespmem:$0x12080] =	vst v63  }
0x30: {  	v4 =	vld [tilespmem:$0x80];
	_ =	sdelay $0x4  }
0x31: {  	v5 =	vshll.u32 v4, $0x3  }
0x32: {  	v4 =	vand.u32 $0x7, v4;
	v5 =	vand.u32 $0xFFFFFFC0, v5  }
0x33: {  	v4 =	vor.u32 v4, v5  }
0x34: {  	v5 =	vperm.xlane v4, v0;
	_ =	sdelay $0x1  }
0x35: {  	v5 =	vadd.s32 v1, v5;
	_ =	sdelay $0x4  }
0x36: {  	[tilespmem:s23], [sflag:$0x2] =	stream.indirect_vreg.gather [hbm4b:s1+s5], $0x80, v5, vm0, $0xb8;
	[tilespmem:$0x12080] =	vst v63  }
0x37: {  	s22 =	simm.s32 $0x6880;
	v4 =	vperm.xlane v4, v2  }
0x38: {  	[tilespmem:s22], [sflag:$0x2] =	stream.indirect_vreg.gather [hbm4b:s8+s5], $0x80, v5, vm0, $0xb8;
	[tilespmem:$0x12080] =	vst v63  }
0x39: {  	s24 =	simm.s32 $0x7080;
	v4 =	vadd.s32 v1, v4  }
0x3a: {  	[tilespmem:s24], [sflag:$0x2] =	stream.indirect_vreg.gather [hbm4b:s9+s5], $0x80, v5, vm0, $0xb8;
	[tilespmem:$0x12080] =	vst v63  }
0x3b: {  	s25 =	simm.s32 $0x7880  }
0x3c: {  	[tilespmem:s25], [sflag:$0x2] =	stream.indirect_vreg.gather [hbm4b:s10+s5], $0x80, v5, vm0, $0xb8;
	[tilespmem:$0x12080] =	vst v63  }
0x3d: {  	s26 =	simm.s32 $0x8080  }
0x3e: {  	[tilespmem:s26], [sflag:$0x2] =	stream.indirect_vreg.gather [hbm4b:s1+s5], $0x80, v4, vm0, $0xb8;
	[tilespmem:$0x12080] =	vst v63  }
0x3f: {  	s7 =	simm.s32 $0x8880  }
0x40: {  	[tilespmem:s7], [sflag:$0x2] =	stream.indirect_vreg.gather [hbm4b:s8+s5], $0x80, v4, vm0, $0xb8;
	[tilespmem:$0x12080] =	vst v63  }
0x41: {  	s12 =	simm.s32 $0x9080  }
0x42: {  	[tilespmem:s12], [sflag:$0x2] =	stream.indirect_vreg.gather [hbm4b:s9+s5], $0x80, v4, vm0, $0xb8;
	[tilespmem:$0x12080] =	vst v63  }
0x43: {  	s13 =	simm.s32 $0x9880  }
0x44: {  	[tilespmem:s13], [sflag:$0x2] =	stream.indirect_vreg.gather [hbm4b:s10+s5], $0x80, v4, vm0, $0xb8;
	[tilespmem:$0x12080] =	vst v63  }
0x45: {  	v4 =	vld [tilespmem:$0x100];
	_ =	sdelay $0x4  }
0x46: {  	v5 =	vshll.u32 v4, $0x3  }
0x47: {  	v4 =	vand.u32 $0x7, v4;
	v5 =	vand.u32 $0xFFFFFFC0, v5  }
0x48: {  	v4 =	vor.u32 v4, v5  }
0x49: {  	v5 =	vperm.xlane v4, v0;
	_ =	sdelay $0x1  }
0x4a: {  	v5 =	vadd.s32 v1, v5;
	_ =	sdelay $0x4  }
0x4b: {  	[tilespmem:s2], [sflag:$0x3] =	stream.indirect_vreg.gather [hbm4b:s1+s5], $0x80, v5, vm0, $0xb8;
	[tilespmem:$0x12080] =	vst v63  }
0x4c: {  	s15 =	simm.s32 $0xA880;
	v4 =	vperm.xlane v4, v2  }
0x4d: {  	[tilespmem:s15], [sflag:$0x3] =	stream.indirect_vreg.gather [hbm4b:s8+s5], $0x80, v5, vm0, $0xb8;
	[tilespmem:$0x12080] =	vst v63  }
0x4e: {  	s18 =	simm.s32 $0xB080;
	v4 =	vadd.s32 v1, v4  }
0x4f: {  	[tilespmem:s18], [sflag:$0x3] =	stream.indirect_vreg.gather [hbm4b:s9+s5], $0x80, v5, vm0, $0xb8;
	[tilespmem:$0x12080] =	vst v63  }
0x50: {  	s19 =	simm.s32 $0xB880  }
0x51: {  	[tilespmem:s19], [sflag:$0x3] =	stream.indirect_vreg.gather [hbm4b:s10+s5], $0x80, v5, vm0, $0xb8;
	[tilespmem:$0x12080] =	vst v63  }
0x52: {  	s22 =	simm.s32 $0xC080  }
0x53: {  	[tilespmem:s22], [sflag:$0x3] =	stream.indirect_vreg.gather [hbm4b:s1+s5], $0x80, v4, vm0, $0xb8;
	[tilespmem:$0x12080] =	vst v63  }
0x54: {  	s24 =	simm.s32 $0xC880  }
0x55: {  	[tilespmem:s24], [sflag:$0x3] =	stream.indirect_vreg.gather [hbm4b:s8+s5], $0x80, v4, vm0, $0xb8;
	[tilespmem:$0x12080] =	vst v63  }
0x56: {  	s25 =	simm.s32 $0xD080  }
0x57: {  	[tilespmem:s25], [sflag:$0x3] =	stream.indirect_vreg.gather [hbm4b:s9+s5], $0x80, v4, vm0, $0xb8;
	[tilespmem:$0x12080] =	vst v63  }
0x58: {  	s26 =	simm.s32 $0xD880;
	s7 =	simm.s32 $0x0  }
0x59: {  	[tilespmem:s26], [sflag:$0x3] =	stream.indirect_vreg.gather [hbm4b:s10+s5], $0x80, v4, vm0, $0xb8;
	[tilespmem:$0x12080] =	vst v63  }
.LBB2_2:
0x5a: {  	_ =	swait.ge [sflag:s20], $0x4000  }
0x5b: {  	p0 =	seq.s32 s7, $0x0;
	[sflag:s20] =	ssyncset.done $0x0  }
0x5c: {  	s4 =	sshll.u32 s7, $0x2;
	s13 =	simm.s32 @!p0 $0x8;
	[sflag:s20] =	ssyncadd.s32 $0xFFFFC000  }
0x5d: {  	s12 =	sor.u32 $0x3, s4;
	_ =	swait.ge @!p0 [sflag:s13], $0x4000  }
0x5e: {  	s4 =	sshll.u32 s12, $0x7;
	[sflag:s13] =	ssyncset.done @!p0 $0x0  }
0x5f: {  	s4 =	sand.u32 $0x3FFFFF80, s4;
	[sflag:s13] =	ssyncadd.s32 @!p0 $0xFFFFC000  }
0x60: {  	v4 =	vld [tilespmem:s4+$0x0];
	_ =	sdelay $0x4  }
0x61: {  	v5 =	vshll.u32 v4, $0x3  }
0x62: {  	v4 =	vand.u32 $0x7, v4;
	v5 =	vand.u32 $0xFFFFFFC0, v5  }
0x63: {  	v4 =	vor.u32 v4, v5  }
0x64: {  	v5 =	vperm.xlane v4, v0;
	_ =	sdelay $0x1  }
0x65: {  	v5 =	vadd.s32 v1, v5;
	_ =	sdelay $0x3  }
0x66: {  	s26 =	simm.s32 $0x0  }
0x67: {  	[tilespmem:s21], [sflag:$0x4] =	stream.indirect_vreg.gather [hbm4b:s1+s26], $0x80, v5, vm0, $0xb8;
	[tilespmem:$0x12080] =	vst v63  }
0x68: {  	s15 =	simm.s32 $0xE880;
	v4 =	vperm.xlane v4, v2  }
0x69: {  	[tilespmem:s15], [sflag:$0x4] =	stream.indirect_vreg.gather [hbm4b:s8+s26], $0x80, v5, vm0, $0xb8;
	[tilespmem:$0x12080] =	vst v63  }
0x6a: {  	s18 =	simm.s32 $0xF080;
	v4 =	vadd.s32 v1, v4  }
0x6b: {  	[tilespmem:s18], [sflag:$0x4] =	stream.indirect_vreg.gather [hbm4b:s9+s26], $0x80, v5, vm0, $0xb8;
	[tilespmem:$0x12080] =	vst v63  }
0x6c: {  	s19 =	simm.s32 $0xF880  }
0x6d: {  	[tilespmem:s19], [sflag:$0x4] =	stream.indirect_vreg.gather [hbm4b:s10+s26], $0x80, v5, vm0, $0xb8;
	[tilespmem:$0x12080] =	vst v63  }
0x6e: {  	s22 =	simm.s32 $0x10080;
	s24 =	simm.s32 $0x0  }
0x6f: {  	[tilespmem:s22], [sflag:$0x4] =	stream.indirect_vreg.gather [hbm4b:s1+s26], $0x80, v4, vm0, $0xb8;
	[tilespmem:$0x12080] =	vst v63  }
0x70: {  	s13 =	sand.u32 $0x2000, s24;
	s4 =	sand.u32 $0x1C00, s26;
	s15 =	simm.s32 $0x0  }
0x71: {  	[tilespmem:s28], [sflag:$0x4] =	stream.indirect_vreg.gather [hbm4b:s8+s26], $0x80, v4, vm0, $0xb8;
	[tilespmem:$0x12080] =	vst v63  }
0x72: {  	s4 =	sor.u32 s4, s13;
	s15 =	sand.u32 $0x380, s15  }
0x73: {  	[tilespmem:s29], [sflag:$0x4] =	stream.indirect_vreg.gather [hbm4b:s9+s26], $0x80, v4, vm0, $0xb8;
	[tilespmem:$0x12080] =	vst v63  }
0x74: {  	s18 =	sor.u32 s15, s4  }
0x75: {  	[tilespmem:s30], [sflag:$0x4] =	stream.indirect_vreg.gather [hbm4b:s10+s26], $0x80, v4, vm0, $0xb8;
	[tilespmem:$0x12080] =	vst v63  }
0x76: {  	v4 =	vld [tilespmem:s18+$0x20F0]  }
0x77: {  	v5 =	vld [tilespmem:s18+$0x2080]  }
0x78: {  	v6 =	vld [tilespmem:s18+$0x2090]  }
0x79: {  	v7 =	vld [tilespmem:s18+$0x20A0]  }
0x7a: {  	s25 =	simm.s32 $0x80;
	s4 =	simm.s32 $0x400;
	v9 =	vld [tilespmem:s18+$0x20B0]  }
0x7b: {  	s13 =	sand.u32 $0x2000, s25;
	s19 =	simm.s32 $0x10;
	s26 =	sand.u32 $0x1C00, s4;
	v11 =	vld [tilespmem:s18+$0x20C0];
	v4 =	vmul.f32 v4, v3  }
0x7c: {  	s19 =	sand.u32 $0x380, s19;
	s13 =	sor.u32 s26, s13;
	v8 =	vld [tilespmem:s18+$0x20D0];
	v5 =	vmul.f32 v5, v3  }
0x7d: {  	s13 =	sor.u32 s19, s13;
	v10 =	vmul.f32 v6, v3;
	v6 =	vld [tilespmem:s18+$0x20E0];
	[tilespmem:s18+$0x20F0] =	vst v4  }
0x7e: {  	v12 =	vmul.f32 v7, v3;
	v4 =	vld [tilespmem:s13+$0x20F0];
	[tilespmem:s18+$0x2080] =	vst v5  }
0x7f: {  	v5 =	vld [tilespmem:s13+$0x2080];
	[tilespmem:s18+$0x2090] =	vst v10;
	v10 =	vmul.f32 v9, v3  }
0x80: {  	s15 =	simm.s32 $0x8;
	v7 =	vld [tilespmem:s13+$0x2090];
	[tilespmem:s18+$0x20A0] =	vst v12;
	v9 =	vmul.f32 v11, v3  }
.LBB2_3:
0x81: {  	s15 =	sadd.s32 $0x8, s15;
	v11 =	vld [tilespmem:s13+$0x20A0];
	[tilespmem:s18+$0x20B0] =	vst v10;
	v8 =	vmul.f32 v8, v3  }
0x82: {  	s4 =	sadd.s32 $0x400, s4;
	s19 =	sshll.u32 s15, $0x4;
	p0 =	slt.u32 s15, $0x3F8;
	v10 =	vld [tilespmem:s13+$0x20B0];
	[tilespmem:s18+$0x20C0] =	vst v9;
	v6 =	vmul.f32 v6, v3  }
0x83: {  	s22 =	sand.u32 $0x1C00, s4;
	s24 =	sshll.u32 s15, $0x1;
	s19 =	sand.u32 $0x2000, s19;
	v9 =	vld [tilespmem:s13+$0x20C0];
	v4 =	vmul.f32 v4, v3;
	[tilespmem:s18+$0x20D0] =	vst v8  }
.Ltmp0:
0x84: {  	s24 =	sand.u32 $0x380, s24;
	s19 =	sor.u32 s22, s19;
	v5 =	vmul.f32 v5, v3;
	v8 =	vld [tilespmem:s13+$0x20D0];
	[tilespmem:s18+$0x20E0] =	vst v6;
	(pc) =	sbr.rel @p0 .LBB2_3-.Ltmp0, $4  }
0x85: {  	s18 =	smov.u32 s13;
	v7 =	vmul.f32 v7, v3;
	v6 =	vld [tilespmem:s13+$0x20E0];
	[tilespmem:s13+$0x20F0] =	vst v4;
	s13 =	sor.u32 s24, s19  }
0x86: {  	v4 =	vld [tilespmem:s13+$0x20F0];
	[tilespmem:s18+$0x2080] =	vst v5;
	v11 =	vmul.f32 v11, v3  }
0x87: {  	v5 =	vld [tilespmem:s13+$0x2080];
	[tilespmem:s18+$0x2090] =	vst v7;
	v10 =	vmul.f32 v10, v3  }
0x88: {  	v7 =	vld [tilespmem:s13+$0x2090];
	[tilespmem:s18+$0x20A0] =	vst v11;
	v9 =	vmul.f32 v9, v3  }
0x89: {  	v11 =	vld [tilespmem:s13+$0x20A0];
	[tilespmem:s18+$0x20B0] =	vst v10;
	v8 =	vmul.f32 v8, v3  }
0x8a: {  	v10 =	vld [tilespmem:s13+$0x20B0];
	[tilespmem:s18+$0x20C0] =	vst v9;
	v6 =	vmul.f32 v6, v3  }
0x8b: {  	v9 =	vld [tilespmem:s13+$0x20C0];
	v4 =	vmul.f32 v4, v3;
	[tilespmem:s18+$0x20D0] =	vst v8  }
0x8c: {  	v8 =	vld [tilespmem:s13+$0x20D0];
	v5 =	vmul.f32 v5, v3;
	[tilespmem:s18+$0x20E0] =	vst v6  }
0x8d: {  	v6 =	vmul.f32 v7, v3;
	v7 =	vld [tilespmem:s13+$0x20E0];
	[tilespmem:s13+$0x20F0] =	vst v4  }
0x8e: {  	[tilespmem:s13+$0x2080] =	vst v5;
	v4 =	vmul.f32 v11, v3  }
0x8f: {  	v5 =	vmul.f32 v10, v3;
	[tilespmem:s13+$0x2090] =	vst v6  }
0x90: {  	[tilespmem:s13+$0x20A0] =	vst v4;
	v4 =	vmul.f32 v9, v3  }
0x91: {  	[tilespmem:s13+$0x20B0] =	vst v5;
	v5 =	vmul.f32 v8, v3  }
0x92: {  	[tilespmem:s13+$0x20C0] =	vst v4;
	v4 =	vmul.f32 v7, v3  }
0x93: {  	s4 =	sshll.u32 s7, $0xD;
	[tilespmem:s13+$0x20D0] =	vst v5  }
0x94: {  	s22 =	simm.s32 $0x2080;
	s4 =	sadd.s32 s4, s11;
	[tilespmem:s13+$0x20E0] =	vst v4  }
0x95: {  	[hbm4b:s4+s5] =	stream.linear.scatter [tilespmem:s22], [sflag:$0x5], $0x4000, $0x38;
	[tilespmem:$0x12080] =	vst v63  }
0x96: {  	_ =	swait.ge [sflag:s31], $0x4000  }
0x97: {  	[sflag:s31] =	ssyncset.done $0x0  }
0x98: {  	[sflag:s31] =	ssyncadd.s32 $0xFFFFC000  }
0x99: {  	p0 =	seq.s32 s7, $0xF;
	_ =	swait.ge [sflag:s0], $0x4000  }
0x9a: {  	s4 =	sshll.u32 @!p0 s7, $0x9;
	[sflag:s0] =	ssyncset.done $0x0  }
0x9b: {  	s18 =	sand.u32 @!p0 $0x3FFFFE00, s4;
	[sflag:s0] =	ssyncadd.s32 $0xFFFFC000  }
0x9c: {  	v4 =	vld @!p0 [tilespmem:s18+$0x200];
	_ =	sdelay $0x4  }
0x9d: {  	v5 =	vshll.u32 @!p0 v4, $0x3  }
0x9e: {  	v6 =	vlaneseq.u32 @!p0;
	v4 =	vand.u32 @!p0 $0x7, v4;
	v5 =	vand.u32 @!p0 $0xFFFFFFC0, v5  }
0x9f: {  	v7 =	vshrl.u32 @!p0 v6, $0x3;
	v4 =	vor.u32 @!p0 v4, v5;
	v5 =	vand.u32 @!p0 $0x7, v6  }
0xa0: {  	v7 =	vmul.u32 @!p0 $0x8, v7;
	v5 =	vperm.xlane @!p0 v4, v5;
	_ =	sdelay $0x1  }
0xa1: {  	v5 =	vadd.s32 @!p0 v7, v5;
	_ =	sdelay $0x3  }
0xa2: {  	vm1 =	vmmov @!p0 $0xffff;
	s13 =	simm.s32 @!p0 $0x2080;
	s4 =	simm.s32 @!p0 $0x0  }
0xa3: {  	v6 =	vor.u32 @!p0 $0x8, v6;
	[tilespmem:s13], [sflag:$0x1] =	stream.indirect_vreg.gather @!p0 [hbm4b:s1+s4], $0x80, v5, vm1, $0xb8;
	[tilespmem:$0x12080] =	vst v63  }
0xa4: {  	v4 =	vperm.xlane @!p0 v4, v6;
	s13 =	simm.s32 @!p0 $0x2880  }
0xa5: {  	[tilespmem:s13], [sflag:$0x1] =	stream.indirect_vreg.gather @!p0 [hbm4b:s8+s4], $0x80, v5, vm1, $0xb8;
	[tilespmem:$0x12080] =	vst v63  }
0xa6: {  	v4 =	vadd.s32 @!p0 v7, v4;
	s13 =	simm.s32 @!p0 $0x3080  }
0xa7: {  	[tilespmem:s13], [sflag:$0x1] =	stream.indirect_vreg.gather @!p0 [hbm4b:s9+s4], $0x80, v5, vm1, $0xb8;
	[tilespmem:$0x12080] =	vst v63  }
0xa8: {  	s13 =	simm.s32 @!p0 $0x3880  }
0xa9: {  	[tilespmem:s13], [sflag:$0x1] =	stream.indirect_vreg.gather @!p0 [hbm4b:s10+s4], $0x80, v5, vm1, $0xb8;
	[tilespmem:$0x12080] =	vst v63  }
0xaa: {  	s13 =	simm.s32 @!p0 $0x4080  }
0xab: {  	[tilespmem:s13], [sflag:$0x1] =	stream.indirect_vreg.gather @!p0 [hbm4b:s1+s4], $0x80, v4, vm1, $0xb8;
	[tilespmem:$0x12080] =	vst v63  }
0xac: {  	s13 =	simm.s32 @!p0 $0x4880  }
0xad: {  	[tilespmem:s13], [sflag:$0x1] =	stream.indirect_vreg.gather @!p0 [hbm4b:s8+s4], $0x80, v4, vm1, $0xb8;
	[tilespmem:$0x12080] =	vst v63  }
0xae: {  	s13 =	simm.s32 @!p0 $0x5080  }
0xaf: {  	[tilespmem:s13], [sflag:$0x1] =	stream.indirect_vreg.gather @!p0 [hbm4b:s9+s4], $0x80, v4, vm1, $0xb8;
	[tilespmem:$0x12080] =	vst v63  }
0xb0: {  	s24 =	simm.s32 $0x0;
	s25 =	simm.s32 $0x0;
	s13 =	simm.s32 @!p0 $0x5880  }
0xb1: {  	[tilespmem:s13], [sflag:$0x1] =	stream.indirect_vreg.gather @!p0 [hbm4b:s10+s4], $0x80, v4, vm1, $0xb8;
	[tilespmem:$0x12080] =	vst v63  }
0xb2: {  	s15 =	simm.s32 $0x0;
	s13 =	sand.u32 $0x2000, s25;
	s4 =	sand.u32 $0x1C00, s24  }
0xb3: {  	s15 =	sand.u32 $0x380, s15;
	s4 =	sor.u32 s4, s13  }
0xb4: {  	s13 =	sor.u32 s15, s4  }
0xb5: {  	v4 =	vld [tilespmem:s13+$0x60F0]  }
0xb6: {  	v5 =	vld [tilespmem:s13+$0x6080]  }
0xb7: {  	v6 =	vld [tilespmem:s13+$0x6090]  }
0xb8: {  	v7 =	vld [tilespmem:s13+$0x60A0]  }
0xb9: {  	s26 =	simm.s32 $0x80;
	s4 =	simm.s32 $0x400;
	v9 =	vld [tilespmem:s13+$0x60B0]  }
0xba: {  	s22 =	simm.s32 $0x10;
	s15 =	sand.u32 $0x2000, s26;
	s19 =	sand.u32 $0x1C00, s4;
	v11 =	vld [tilespmem:s13+$0x60C0];
	v4 =	vmul.f32 v4, v3  }
0xbb: {  	s22 =	sand.u32 $0x380, s22;
	v8 =	vld [tilespmem:s13+$0x60D0];
	s15 =	sor.u32 s19, s15;
	v5 =	vmul.f32 v5, v3  }
0xbc: {  	s19 =	sor.u32 s22, s15;
	v10 =	vmul.f32 v6, v3;
	v6 =	vld [tilespmem:s13+$0x60E0];
	[tilespmem:s13+$0x60F0] =	vst v4  }
0xbd: {  	v12 =	vmul.f32 v7, v3;
	v4 =	vld [tilespmem:s19+$0x60F0];
	[tilespmem:s13+$0x6080] =	vst v5  }
0xbe: {  	v5 =	vld [tilespmem:s19+$0x6080];
	[tilespmem:s13+$0x6090] =	vst v10;
	v10 =	vmul.f32 v9, v3  }
0xbf: {  	s15 =	simm.s32 $0x8;
	v7 =	vld [tilespmem:s19+$0x6090];
	[tilespmem:s13+$0x60A0] =	vst v12;
	v9 =	vmul.f32 v11, v3  }
.LBB2_5:
0xc0: {  	s15 =	sadd.s32 $0x8, s15;
	v11 =	vld [tilespmem:s19+$0x60A0];
	[tilespmem:s13+$0x60B0] =	vst v10;
	v8 =	vmul.f32 v8, v3  }
0xc1: {  	s4 =	sadd.s32 $0x400, s4;
	s22 =	sshll.u32 s15, $0x4;
	p1 =	slt.u32 s15, $0x3F8;
	v10 =	vld [tilespmem:s19+$0x60B0];
	[tilespmem:s13+$0x60C0] =	vst v9;
	v6 =	vmul.f32 v6, v3  }
0xc2: {  	s24 =	sand.u32 $0x1C00, s4;
	s25 =	sshll.u32 s15, $0x1;
	s22 =	sand.u32 $0x2000, s22;
	v9 =	vld [tilespmem:s19+$0x60C0];
	v4 =	vmul.f32 v4, v3;
	[tilespmem:s13+$0x60D0] =	vst v8  }
.Ltmp1:
0xc3: {  	s25 =	sand.u32 $0x380, s25;
	s22 =	sor.u32 s24, s22;
	v5 =	vmul.f32 v5, v3;
	v8 =	vld [tilespmem:s19+$0x60D0];
	[tilespmem:s13+$0x60E0] =	vst v6;
	(pc) =	sbr.rel @p1 .LBB2_5-.Ltmp1, $4  }
0xc4: {  	s13 =	smov.u32 s19;
	v7 =	vmul.f32 v7, v3;
	v6 =	vld [tilespmem:s19+$0x60E0];
	[tilespmem:s19+$0x60F0] =	vst v4;
	s19 =	sor.u32 s25, s22  }
0xc5: {  	v4 =	vld [tilespmem:s19+$0x60F0];
	[tilespmem:s13+$0x6080] =	vst v5;
	v11 =	vmul.f32 v11, v3  }
0xc6: {  	v5 =	vld [tilespmem:s19+$0x6080];
	[tilespmem:s13+$0x6090] =	vst v7;
	v10 =	vmul.f32 v10, v3  }
0xc7: {  	v7 =	vld [tilespmem:s19+$0x6090];
	[tilespmem:s13+$0x60A0] =	vst v11;
	v9 =	vmul.f32 v9, v3  }
0xc8: {  	v11 =	vld [tilespmem:s19+$0x60A0];
	[tilespmem:s13+$0x60B0] =	vst v10;
	v8 =	vmul.f32 v8, v3  }
0xc9: {  	v10 =	vld [tilespmem:s19+$0x60B0];
	[tilespmem:s13+$0x60C0] =	vst v9;
	v6 =	vmul.f32 v6, v3  }
0xca: {  	v9 =	vld [tilespmem:s19+$0x60C0];
	v4 =	vmul.f32 v4, v3;
	[tilespmem:s13+$0x60D0] =	vst v8  }
0xcb: {  	v8 =	vld [tilespmem:s19+$0x60D0];
	v5 =	vmul.f32 v5, v3;
	[tilespmem:s13+$0x60E0] =	vst v6  }
0xcc: {  	v6 =	vmul.f32 v7, v3;
	v7 =	vld [tilespmem:s19+$0x60E0];
	[tilespmem:s19+$0x60F0] =	vst v4  }
0xcd: {  	[tilespmem:s19+$0x6080] =	vst v5;
	v4 =	vmul.f32 v11, v3  }
0xce: {  	v5 =	vmul.f32 v10, v3;
	[tilespmem:s19+$0x6090] =	vst v6  }
0xcf: {  	s4 =	sshll.u32 s7, $0x6;
	[tilespmem:s19+$0x60A0] =	vst v4;
	v4 =	vmul.f32 v9, v3  }
0xd0: {  	s4 =	sadd.s32 s4, s6;
	[tilespmem:s19+$0x60B0] =	vst v5;
	v5 =	vmul.f32 v8, v3  }
0xd1: {  	s15 =	rddreg [dreg:$0x3];
	s4 =	sshll.u32 s4, $0x7;
	[tilespmem:s19+$0x60C0] =	vst v4;
	v4 =	vmul.f32 v7, v3  }
0xd2: {  	s13 =	sadd.s32 s15, s4;
	[tilespmem:s19+$0x60D0] =	vst v5  }
0xd3: {  	s4 =	sadd.s32 $0x800, s13;
	[tilespmem:s19+$0x60E0] =	vst v4  }
0xd4: {  	[hbm4b:s4+s5] =	stream.linear.scatter [tilespmem:s23], [sflag:$0x6], $0x4000, $0x38;
	[tilespmem:$0x12080] =	vst v63  }
0xd5: {  	_ =	swait.ge [sflag:s3], $0x4000  }
0xd6: {  	[sflag:s3] =	ssyncset.done $0x0  }
0xd7: {  	[sflag:s3] =	ssyncadd.s32 $0xFFFFC000  }
0xd8: {  	_ =	swait.ge [sflag:s14], $0x4000  }
0xd9: {  	[sflag:s14] =	ssyncset.done $0x0  }
0xda: {  	[sflag:s14] =	ssyncadd.s32 $0xFFFFC000  }
0xdb: {  	v4 =	vld @!p0 [tilespmem:s18+$0x280];
	_ =	sdelay $0x4  }
0xdc: {  	v5 =	vshll.u32 @!p0 v4, $0x3  }
0xdd: {  	v6 =	vlaneseq.u32 @!p0;
	v4 =	vand.u32 @!p0 $0x7, v4;
	v5 =	vand.u32 @!p0 $0xFFFFFFC0, v5  }
0xde: {  	v7 =	vshrl.u32 @!p0 v6, $0x3;
	v4 =	vor.u32 @!p0 v4, v5;
	v5 =	vand.u32 @!p0 $0x7, v6  }
0xdf: {  	v7 =	vmul.u32 @!p0 $0x8, v7;
	v5 =	vperm.xlane @!p0 v4, v5;
	_ =	sdelay $0x1  }
0xe0: {  	v5 =	vadd.s32 @!p0 v7, v5;
	_ =	sdelay $0x3  }
0xe1: {  	s15 =	simm.s32 @!p0 $0x6080;
	s4 =	simm.s32 @!p0 $0x0  }
0xe2: {  	v6 =	vor.u32 @!p0 $0x8, v6;
	[tilespmem:s15], [sflag:$0x2] =	stream.indirect_vreg.gather @!p0 [hbm4b:s1+s4], $0x80, v5, vm1, $0xb8;
	[tilespmem:$0x12080] =	vst v63  }
0xe3: {  	v4 =	vperm.xlane @!p0 v4, v6;
	s15 =	simm.s32 @!p0 $0x6880  }
0xe4: {  	[tilespmem:s15], [sflag:$0x2] =	stream.indirect_vreg.gather @!p0 [hbm4b:s8+s4], $0x80, v5, vm1, $0xb8;
	[tilespmem:$0x12080] =	vst v63  }
0xe5: {  	v4 =	vadd.s32 @!p0 v7, v4;
	s15 =	simm.s32 @!p0 $0x7080  }
0xe6: {  	[tilespmem:s15], [sflag:$0x2] =	stream.indirect_vreg.gather @!p0 [hbm4b:s9+s4], $0x80, v5, vm1, $0xb8;
	[tilespmem:$0x12080] =	vst v63  }
0xe7: {  	s15 =	simm.s32 @!p0 $0x7880  }
0xe8: {  	[tilespmem:s15], [sflag:$0x2] =	stream.indirect_vreg.gather @!p0 [hbm4b:s10+s4], $0x80, v5, vm1, $0xb8;
	[tilespmem:$0x12080] =	vst v63  }
0xe9: {  	s15 =	simm.s32 @!p0 $0x8080  }
0xea: {  	[tilespmem:s15], [sflag:$0x2] =	stream.indirect_vreg.gather @!p0 [hbm4b:s1+s4], $0x80, v4, vm1, $0xb8;
	[tilespmem:$0x12080] =	vst v63  }
0xeb: {  	s15 =	simm.s32 @!p0 $0x8880  }
0xec: {  	[tilespmem:s15], [sflag:$0x2] =	stream.indirect_vreg.gather @!p0 [hbm4b:s8+s4], $0x80, v4, vm1, $0xb8;
	[tilespmem:$0x12080] =	vst v63  }
0xed: {  	s15 =	simm.s32 @!p0 $0x9080  }
0xee: {  	[tilespmem:s15], [sflag:$0x2] =	stream.indirect_vreg.gather @!p0 [hbm4b:s9+s4], $0x80, v4, vm1, $0xb8;
	[tilespmem:$0x12080] =	vst v63  }
0xef: {  	s22 =	simm.s32 $0x0;
	s24 =	simm.s32 $0x0;
	s15 =	simm.s32 @!p0 $0x9880  }
0xf0: {  	[tilespmem:s15], [sflag:$0x2] =	stream.indirect_vreg.gather @!p0 [hbm4b:s10+s4], $0x80, v4, vm1, $0xb8;
	[tilespmem:$0x12080] =	vst v63  }
0xf1: {  	s25 =	simm.s32 $0x0;
	s15 =	sand.u32 $0x2000, s24;
	s4 =	sand.u32 $0x1C00, s22  }
0xf2: {  	s19 =	sand.u32 $0x380, s25;
	s4 =	sor.u32 s4, s15  }
0xf3: {  	s4 =	sor.u32 s19, s4  }
0xf4: {  	v4 =	vld [tilespmem:s4+$0xA0F0]  }
0xf5: {  	v5 =	vld [tilespmem:s4+$0xA080]  }
0xf6: {  	v6 =	vld [tilespmem:s4+$0xA090]  }
0xf7: {  	v7 =	vld [tilespmem:s4+$0xA0A0]  }
0xf8: {  	s26 =	simm.s32 $0x80;
	s15 =	simm.s32 $0x400;
	v9 =	vld [tilespmem:s4+$0xA0B0]  }
0xf9: {  	s24 =	simm.s32 $0x10;
	s19 =	sand.u32 $0x2000, s26;
	s22 =	sand.u32 $0x1C00, s15;
	v11 =	vld [tilespmem:s4+$0xA0C0];
	v4 =	vmul.f32 v4, v3  }
0xfa: {  	s24 =	sand.u32 $0x380, s24;
	s19 =	sor.u32 s22, s19;
	v8 =	vld [tilespmem:s4+$0xA0D0];
	v5 =	vmul.f32 v5, v3  }
0xfb: {  	s19 =	sor.u32 s24, s19;
	v10 =	vmul.f32 v6, v3;
	v6 =	vld [tilespmem:s4+$0xA0E0];
	[tilespmem:s4+$0xA0F0] =	vst v4  }
0xfc: {  	v12 =	vmul.f32 v7, v3;
	v4 =	vld [tilespmem:s19+$0xA0F0];
	[tilespmem:s4+$0xA080] =	vst v5  }
0xfd: {  	v5 =	vld [tilespmem:s19+$0xA080];
	[tilespmem:s4+$0xA090] =	vst v10;
	v10 =	vmul.f32 v9, v3  }
0xfe: {  	s22 =	simm.s32 $0x8;
	v7 =	vld [tilespmem:s19+$0xA090];
	[tilespmem:s4+$0xA0A0] =	vst v12;
	v9 =	vmul.f32 v11, v3  }
.LBB2_7:
0xff: {  	s22 =	sadd.s32 $0x8, s22;
	v11 =	vld [tilespmem:s19+$0xA0A0];
	[tilespmem:s4+$0xA0B0] =	vst v10;
	v8 =	vmul.f32 v8, v3  }
0x100: {  	s15 =	sadd.s32 $0x400, s15;
	s24 =	sshll.u32 s22, $0x4;
	p1 =	slt.u32 s22, $0x3F8;
	v10 =	vld [tilespmem:s19+$0xA0B0];
	[tilespmem:s4+$0xA0C0] =	vst v9;
	v6 =	vmul.f32 v6, v3  }
0x101: {  	s25 =	sand.u32 $0x1C00, s15;
	s26 =	sshll.u32 s22, $0x1;
	s24 =	sand.u32 $0x2000, s24;
	v9 =	vld [tilespmem:s19+$0xA0C0];
	v4 =	vmul.f32 v4, v3;
	[tilespmem:s4+$0xA0D0] =	vst v8  }
.Ltmp2:
0x102: {  	s26 =	sand.u32 $0x380, s26;
	s24 =	sor.u32 s25, s24;
	v5 =	vmul.f32 v5, v3;
	v8 =	vld [tilespmem:s19+$0xA0D0];
	[tilespmem:s4+$0xA0E0] =	vst v6;
	(pc) =	sbr.rel @p1 .LBB2_7-.Ltmp2, $4  }
0x103: {  	s4 =	smov.u32 s19;
	v7 =	vmul.f32 v7, v3;
	v6 =	vld [tilespmem:s19+$0xA0E0];
	[tilespmem:s19+$0xA0F0] =	vst v4;
	s19 =	sor.u32 s26, s24  }
0x104: {  	v4 =	vld [tilespmem:s19+$0xA0F0];
	[tilespmem:s4+$0xA080] =	vst v5;
	v11 =	vmul.f32 v11, v3  }
0x105: {  	v5 =	vld [tilespmem:s19+$0xA080];
	[tilespmem:s4+$0xA090] =	vst v7;
	v10 =	vmul.f32 v10, v3  }
0x106: {  	v7 =	vld [tilespmem:s19+$0xA090];
	[tilespmem:s4+$0xA0A0] =	vst v11;
	v9 =	vmul.f32 v9, v3  }
0x107: {  	v11 =	vld [tilespmem:s19+$0xA0A0];
	[tilespmem:s4+$0xA0B0] =	vst v10;
	v8 =	vmul.f32 v8, v3  }
0x108: {  	v10 =	vld [tilespmem:s19+$0xA0B0];
	[tilespmem:s4+$0xA0C0] =	vst v9;
	v6 =	vmul.f32 v6, v3  }
0x109: {  	v9 =	vld [tilespmem:s19+$0xA0C0];
	v4 =	vmul.f32 v4, v3;
	[tilespmem:s4+$0xA0D0] =	vst v8  }
0x10a: {  	v8 =	vld [tilespmem:s19+$0xA0D0];
	v5 =	vmul.f32 v5, v3;
	[tilespmem:s4+$0xA0E0] =	vst v6  }
0x10b: {  	v6 =	vmul.f32 v7, v3;
	v7 =	vld [tilespmem:s19+$0xA0E0];
	[tilespmem:s19+$0xA0F0] =	vst v4  }
0x10c: {  	[tilespmem:s19+$0xA080] =	vst v5;
	v4 =	vmul.f32 v11, v3  }
0x10d: {  	v5 =	vmul.f32 v10, v3;
	[tilespmem:s19+$0xA090] =	vst v6  }
0x10e: {  	[tilespmem:s19+$0xA0A0] =	vst v4;
	v4 =	vmul.f32 v9, v3  }
0x10f: {  	[tilespmem:s19+$0xA0B0] =	vst v5;
	v5 =	vmul.f32 v8, v3  }
0x110: {  	[tilespmem:s19+$0xA0C0] =	vst v4;
	v4 =	vmul.f32 v7, v3  }
0x111: {  	[tilespmem:s19+$0xA0D0] =	vst v5  }
0x112: {  	s15 =	sadd.s32 $0x1000, s13;
	[tilespmem:s19+$0xA0E0] =	vst v4  }
0x113: {  	[hbm4b:s15+s5] =	stream.linear.scatter [tilespmem:s2], [sflag:$0x7], $0x4000, $0x38;
	[tilespmem:$0x12080] =	vst v63  }
0x114: {  	_ =	swait.ge [sflag:s16], $0x4000  }
0x115: {  	[sflag:s16] =	ssyncset.done $0x0  }
0x116: {  	[sflag:s16] =	ssyncadd.s32 $0xFFFFC000  }
0x117: {  	_ =	swait.ge [sflag:s17], $0x4000  }
0x118: {  	[sflag:s17] =	ssyncset.done $0x0  }
0x119: {  	[sflag:s17] =	ssyncadd.s32 $0xFFFFC000  }
0x11a: {  	v4 =	vld @!p0 [tilespmem:s18+$0x300];
	_ =	sdelay $0x4  }
0x11b: {  	v5 =	vshll.u32 @!p0 v4, $0x3  }
0x11c: {  	v6 =	vlaneseq.u32 @!p0;
	v4 =	vand.u32 @!p0 $0x7, v4;
	v5 =	vand.u32 @!p0 $0xFFFFFFC0, v5  }
0x11d: {  	v7 =	vshrl.u32 @!p0 v6, $0x3;
	v4 =	vor.u32 @!p0 v4, v5;
	v5 =	vand.u32 @!p0 $0x7, v6  }
0x11e: {  	v7 =	vmul.u32 @!p0 $0x8, v7;
	v5 =	vperm.xlane @!p0 v4, v5;
	_ =	sdelay $0x1  }
0x11f: {  	v5 =	vadd.s32 @!p0 v7, v5;
	_ =	sdelay $0x3  }
0x120: {  	s13 =	simm.s32 @!p0 $0xA080;
	s4 =	simm.s32 @!p0 $0x0  }
0x121: {  	v6 =	vor.u32 @!p0 $0x8, v6;
	[tilespmem:s13], [sflag:$0x3] =	stream.indirect_vreg.gather @!p0 [hbm4b:s1+s4], $0x80, v5, vm1, $0xb8;
	[tilespmem:$0x12080] =	vst v63  }
0x122: {  	v4 =	vperm.xlane @!p0 v4, v6;
	s13 =	simm.s32 @!p0 $0xA880  }
0x123: {  	[tilespmem:s13], [sflag:$0x3] =	stream.indirect_vreg.gather @!p0 [hbm4b:s8+s4], $0x80, v5, vm1, $0xb8;
	[tilespmem:$0x12080] =	vst v63  }
0x124: {  	v4 =	vadd.s32 @!p0 v7, v4;
	s13 =	simm.s32 @!p0 $0xB080  }
0x125: {  	[tilespmem:s13], [sflag:$0x3] =	stream.indirect_vreg.gather @!p0 [hbm4b:s9+s4], $0x80, v5, vm1, $0xb8;
	[tilespmem:$0x12080] =	vst v63  }
0x126: {  	s13 =	simm.s32 @!p0 $0xB880  }
0x127: {  	[tilespmem:s13], [sflag:$0x3] =	stream.indirect_vreg.gather @!p0 [hbm4b:s10+s4], $0x80, v5, vm1, $0xb8;
	[tilespmem:$0x12080] =	vst v63  }
0x128: {  	s13 =	simm.s32 @!p0 $0xC080  }
0x129: {  	[tilespmem:s13], [sflag:$0x3] =	stream.indirect_vreg.gather @!p0 [hbm4b:s1+s4], $0x80, v4, vm1, $0xb8;
	[tilespmem:$0x12080] =	vst v63  }
0x12a: {  	s13 =	simm.s32 @!p0 $0xC880  }
0x12b: {  	[tilespmem:s13], [sflag:$0x3] =	stream.indirect_vreg.gather @!p0 [hbm4b:s8+s4], $0x80, v4, vm1, $0xb8;
	[tilespmem:$0x12080] =	vst v63  }
0x12c: {  	s13 =	simm.s32 @!p0 $0xD080  }
0x12d: {  	[tilespmem:s13], [sflag:$0x3] =	stream.indirect_vreg.gather @!p0 [hbm4b:s9+s4], $0x80, v4, vm1, $0xb8;
	[tilespmem:$0x12080] =	vst v63  }
0x12e: {  	s22 =	simm.s32 $0x0;
	s19 =	simm.s32 $0x0;
	s13 =	simm.s32 @!p0 $0xD880  }
0x12f: {  	[tilespmem:s13], [sflag:$0x3] =	stream.indirect_vreg.gather @!p0 [hbm4b:s10+s4], $0x80, v4, vm1, $0xb8;
	[tilespmem:$0x12080] =	vst v63  }
0x130: {  	s15 =	simm.s32 $0x0;
	s13 =	sand.u32 $0x2000, s22;
	s4 =	sand.u32 $0x1C00, s19  }
0x131: {  	s15 =	sand.u32 $0x380, s15;
	s4 =	sor.u32 s4, s13  }
0x132: {  	s4 =	sor.u32 s15, s4  }
0x133: {  	v4 =	vld [tilespmem:s4+$0xE0F0]  }
0x134: {  	v5 =	vld [tilespmem:s4+$0xE080]  }
0x135: {  	v6 =	vld [tilespmem:s4+$0xE090]  }
0x136: {  	v7 =	vld [tilespmem:s4+$0xE0A0]  }
0x137: {  	s24 =	simm.s32 $0x80;
	s15 =	simm.s32 $0x400;
	v9 =	vld [tilespmem:s4+$0xE0B0]  }
0x138: {  	s26 =	simm.s32 $0x10;
	s13 =	sand.u32 $0x2000, s24;
	s25 =	sand.u32 $0x1C00, s15;
	v11 =	vld [tilespmem:s4+$0xE0C0];
	v4 =	vmul.f32 v4, v3  }
0x139: {  	s19 =	sand.u32 $0x380, s26;
	v8 =	vld [tilespmem:s4+$0xE0D0];
	s13 =	sor.u32 s25, s13;
	v5 =	vmul.f32 v5, v3  }
0x13a: {  	s13 =	sor.u32 s19, s13;
	v10 =	vmul.f32 v6, v3;
	v6 =	vld [tilespmem:s4+$0xE0E0];
	[tilespmem:s4+$0xE0F0] =	vst v4  }
0x13b: {  	v12 =	vmul.f32 v7, v3;
	v4 =	vld [tilespmem:s13+$0xE0F0];
	[tilespmem:s4+$0xE080] =	vst v5  }
0x13c: {  	v5 =	vld [tilespmem:s13+$0xE080];
	[tilespmem:s4+$0xE090] =	vst v10;
	v10 =	vmul.f32 v9, v3  }
0x13d: {  	s18 =	simm.s32 $0x8;
	v7 =	vld [tilespmem:s13+$0xE090];
	[tilespmem:s4+$0xE0A0] =	vst v12;
	v9 =	vmul.f32 v11, v3  }
.LBB2_9:
0x13e: {  	s18 =	sadd.s32 $0x8, s18;
	v11 =	vld [tilespmem:s13+$0xE0A0];
	[tilespmem:s4+$0xE0B0] =	vst v10;
	v8 =	vmul.f32 v8, v3  }
0x13f: {  	s15 =	sadd.s32 $0x400, s15;
	s19 =	sshll.u32 s18, $0x4;
	p0 =	slt.u32 s18, $0x3F8;
	v10 =	vld [tilespmem:s13+$0xE0B0];
	[tilespmem:s4+$0xE0C0] =	vst v9;
	v6 =	vmul.f32 v6, v3  }
0x140: {  	s22 =	sand.u32 $0x1C00, s15;
	s24 =	sshll.u32 s18, $0x1;
	s19 =	sand.u32 $0x2000, s19;
	v9 =	vld [tilespmem:s13+$0xE0C0];
	v4 =	vmul.f32 v4, v3;
	[tilespmem:s4+$0xE0D0] =	vst v8  }
.Ltmp3:
0x141: {  	s24 =	sand.u32 $0x380, s24;
	s19 =	sor.u32 s22, s19;
	v5 =	vmul.f32 v5, v3;
	v8 =	vld [tilespmem:s13+$0xE0D0];
	[tilespmem:s4+$0xE0E0] =	vst v6;
	(pc) =	sbr.rel @p0 .LBB2_9-.Ltmp3, $4  }
0x142: {  	s4 =	smov.u32 s13;
	v7 =	vmul.f32 v7, v3;
	v6 =	vld [tilespmem:s13+$0xE0E0];
	[tilespmem:s13+$0xE0F0] =	vst v4;
	s13 =	sor.u32 s24, s19  }
0x143: {  	v4 =	vld [tilespmem:s13+$0xE0F0];
	[tilespmem:s4+$0xE080] =	vst v5;
	v11 =	vmul.f32 v11, v3  }
0x144: {  	v5 =	vld [tilespmem:s13+$0xE080];
	[tilespmem:s4+$0xE090] =	vst v7;
	v10 =	vmul.f32 v10, v3  }
0x145: {  	v7 =	vld [tilespmem:s13+$0xE090];
	[tilespmem:s4+$0xE0A0] =	vst v11;
	v9 =	vmul.f32 v9, v3  }
0x146: {  	v11 =	vld [tilespmem:s13+$0xE0A0];
	[tilespmem:s4+$0xE0B0] =	vst v10;
	v8 =	vmul.f32 v8, v3  }
0x147: {  	v59 =	vld [tilespmem:s13+$0xE0B0];
	[tilespmem:s4+$0xE0C0] =	vst v9;
	v6 =	vmul.f32 v6, v3  }
0x148: {  	v60 =	vld [tilespmem:s13+$0xE0C0];
	v4 =	vmul.f32 v4, v3;
	[tilespmem:s4+$0xE0D0] =	vst v8  }
0x149: {  	v61 =	vld [tilespmem:s13+$0xE0D0];
	v5 =	vmul.f32 v5, v3;
	[tilespmem:s4+$0xE0E0] =	vst v6  }
0x14a: {  	v63 =	vld [tilespmem:s13+$0xE0E0];
	v62 =	vmul.f32 v7, v3;
	[tilespmem:s13+$0xE0F0] =	vst v4  }
0x14b: {  	[tilespmem:s13+$0xE080] =	vst v5;
	v4 =	vmul.f32 v11, v3  }
0x14c: {  	s7 =	sadd.s32 $0x1, s7;
	v5 =	vmul.f32 v59, v3;
	[tilespmem:s13+$0xE090] =	vst v62  }
0x14d: {  	p0 =	sne.s32 s7, $0x10;
	[tilespmem:s13+$0xE0A0] =	vst v4;
	v4 =	vmul.f32 v60, v3  }
.Ltmp4:
0x14e: {  	[tilespmem:s13+$0xE0B0] =	vst v5;
	v5 =	vmul.f32 v61, v3;
	(pc) =	sbr.rel @p0 .LBB2_2-.Ltmp4, $4  }
0x14f: {  	[tilespmem:s13+$0xE0C0] =	vst v4;
	v4 =	vmul.f32 v63, v3  }
0x150: {  	s26 =	sshll.u32 s12, $0xB;
	[tilespmem:s13+$0xE0D0] =	vst v5  }
0x151: {  	s4 =	sadd.s32 s26, s11;
	[tilespmem:s13+$0xE0E0] =	vst v4  }
0x152: {  	[hbm4b:s4+s5] =	stream.linear.scatter [tilespmem:s21], [sflag:$0x8], $0x4000, $0x38;
	[tilespmem:$0x12080] =	vst v63  }
0x153: {  	s7 =	simm.s32 $0x8  }
0x154: {  	_ =	swait.ge [sflag:s7], $0x4000  }
0x155: {  	s12 =	rddreg [dreg:$0x7]  }
0x156: {  	s4 =	rddreg [dreg:$0x6];
	s12 =	sadd.s32 $0x1, s12  }
0x157: {  	p0 =	sne.s32 s12, s4  }
.Ltmp5:
0x158: {  	_ = 	snop;
	(pc) =	sbr.rel @p0 .LBB2_1-.Ltmp5, $3  }
0x159: {  	_ =	sdelay $0x1  }
0x15a: {  	[sflag:s7] =	ssyncset.done $0x0  }
0x15b: {  	[sflag:s7] =	ssyncadd.s32 $0xFFFFC000  }
0x15c: {  	_ =	sfence.sel $0x180000  }
0x15d: {  	[bflag:$0x0] =	sbarrier.arrive $0xFFFF  }
0x15e: {  	_ =	strace $0x90000047  }
0x15f: {  	s0 =	stileid.u32;
	[bflag:$0x2] =	sbarrier.arrive $0xFFFF  }
0x160: {  	p0 =	sne.s32 s0, $0x0;
	s0 =	rddreg [dreg:$0x4]  }
0x161: {  	s0 =	sadd.s32 @!p0 $0x100000, s0  }
0x162: {  	[sflag:s0] =	ssyncadd.tile.s32 @!p0 $0x1;
	_ =	shalt  }
.Lfunc_end2:
_tile_overlayer_lowered:
.L_overlay_start_2:
0x163: {  	(tag) =	ssettag $0x2  }
0x164: {  	s0 =	rddreg [dreg:$0x0];
	s2 =	stileid.u32  }
0x165: {  	s1 =	rddreg [dreg:$0x1];
	p0 =	sne.s32 s2, $0x0  }
0x166: {  	s3 =	rddreg [dreg:$0x2];
	[bflag:$0x3] =	sbarrier.arrive $0xFFFF;
	s2 =	simm.s32 @!p0 $0x1C09  }
0x167: {  	[timem:s3], [sflag:s2] =	dma.local @!p0 [hbm:s0], s1  }
0x168: {  	s0 =	simm.s32 @!p0 $0x9  }
0x169: {  	_ =	swait.ge @!p0 [sflag:s0], s1  }
0x16a: {  	s1 =	ssub.s32 @!p0 $0x0, s1;
	[sflag:s0] =	ssyncset.done @!p0 $0x0  }
0x16b: {  	[sflag:s0] =	ssyncadd.s32 @!p0 s1  }
0x16c: {  	[bflag:$0x3] =	sbarrier.arrive $0xFFFF  }
0x16d: {  	_ =	shalt  }

</sc_bundles>
